<compile_context>
chip_gen: v7x
topology: tpu7x:2x2x1
jax: 0.10.2.dev20260603
libtpu: 0.0.44.dev20260713+nightly
codegen_flags: <defaults>
</compile_context>

<pallas_src>
import functools
import jax
import jax.numpy as jnp
from jax import lax
from jax.experimental import pallas as pl
from jax.experimental.pallas import tpu as pltpu
from jax.experimental.pallas import tpu_sc as plsc

N = 10000
E = 320000
D = 128
CLS = 64
NT = 16
HR = N // NT
NRS = N // NT
C = 320

_mesh = plsc.VectorSubcoreMesh(core_axis_name="c", subcore_axis_name="s")
_sc_params = pltpu.CompilerParams(needs_layout_passes=False)
_sc_params_agg = pltpu.CompilerParams(
    needs_layout_passes=False, use_tc_tiling_on_sc=False
)


CD = 1280
NCD = E // CD


@functools.partial(
    pl.kernel,
    out_type=jax.ShapeDtypeStruct((2, NT, HR, 16), jnp.float32),
    mesh=_mesh,
    compiler_params=_sc_params,
    scratch_types=[
        pltpu.VMEM((CD,), jnp.int32),
        pltpu.VMEM((HR, 16), jnp.float32),
    ],
)
def _deg_kernel(ei_hbm, zeros_hbm, out_hbm, idx_vm, hist_vm):
    c = lax.axis_index("c")
    s = lax.axis_index("s")
    q, rmd = NCD // NT, NCD % NT
    base = s * q + jnp.minimum(s, rmd)
    cnt = q + jnp.where(s < rmd, 1, 0)
    pltpu.sync_copy(zeros_hbm, hist_vm)
    ones = jnp.full((16,), 1.0, jnp.float32)

    def chunk(i, carry):
        pltpu.sync_copy(ei_hbm.at[c].at[pl.ds((base + i) * CD, CD)], idx_vm)

        def step(v, carry2):
            idxv = idx_vm[pl.ds(v * 16, 16)]
            row = lax.shift_right_logical(idxv, 4)
            col = lax.bitwise_and(idxv, 15)
            plsc.addupdate_scatter(hist_vm, [row, col], ones)
            return carry2

        lax.fori_loop(0, CD // 16, step, 0)
        return carry

    lax.fori_loop(0, cnt, chunk, 0)
    pltpu.sync_copy(hist_vm, out_hbm.at[c, s])


def _make_agg(DD):
    NCC = (E // C) // 2

    @functools.partial(
        pl.kernel,
        out_type=jax.ShapeDtypeStruct((2, N, DD), jnp.float32),
        mesh=_mesh,
        compiler_params=_sc_params_agg,
        scratch_types=[
            pltpu.VMEM_SHARED((N, DD), jnp.float32),
            pltpu.VMEM((C, DD), jnp.float32),
            pltpu.VMEM((C,), jnp.int32),
            pltpu.VMEM((C,), jnp.int32),
            pltpu.SemaphoreType.DMA,
        ],
    )
    def agg(h_hbm, ei_hbm, zeros_hbm, out_hbm, acc_sh, rows_vm, src_vm, dst_vm, sem):
        c = lax.axis_index("c")
        s = lax.axis_index("s")
        q, rmd = NCC // NT, NCC % NT
        base = c * NCC + s * q + jnp.minimum(s, rmd)
        cnt = q + jnp.where(s < rmd, 1, 0)
        pltpu.sync_copy(
            zeros_hbm.at[pl.ds(s * NRS, NRS)], acc_sh.at[pl.ds(s * NRS, NRS)]
        )
        plsc.subcore_barrier()

        def chunk(i, carry):
            off = (base + i) * C
            pltpu.sync_copy(ei_hbm.at[0].at[pl.ds(off, C)], src_vm)
            pltpu.sync_copy(ei_hbm.at[1].at[pl.ds(off, C)], dst_vm)
            pltpu.async_copy(h_hbm.at[src_vm], rows_vm, sem).wait()
            pltpu.sync_copy(rows_vm, acc_sh.at[dst_vm], add=True)
            return carry

        lax.fori_loop(0, cnt, chunk, 0)
        plsc.subcore_barrier()
        pltpu.sync_copy(
            acc_sh.at[pl.ds(s * NRS, NRS)], out_hbm.at[c].at[pl.ds(s * NRS, NRS)]
        )

    return agg


_agg_d = _make_agg(D)
_agg_c = _make_agg(CLS)


R = 1000
NB = N // R


def _norms(degp_ref, which):
    deg = jnp.sum(degp_ref[0, which], axis=0)
    return lax.rsqrt(jnp.maximum(deg, 1.0))


def _tc1_body(degp_ref, x_ref, w_ref, o_ref):
    ns = _norms(degp_ref, 0)
    xn = x_ref[...] * ns[:, None]
    o_ref[...] = jnp.dot(xn, w_ref[...], preferred_element_type=jnp.float32)


_tc1 = pl.pallas_call(
    _tc1_body,
    grid=(NB,),
    in_specs=[
        pl.BlockSpec((1, 2, NT, R), lambda i: (i, 0, 0, 0)),
        pl.BlockSpec((R, D), lambda i: (i, 0)),
        pl.BlockSpec((D, D), lambda i: (0, 0)),
    ],
    out_specs=pl.BlockSpec((R, D), lambda i: (i, 0)),
    out_shape=jax.ShapeDtypeStruct((N, D), jnp.float32),
)


def _mid_body(degp_ref, aggp_ref, b_ref, w_ref, o_ref):
    nd = _norms(degp_ref, 1)
    agg = aggp_ref[0] + aggp_ref[1]
    act = jnp.maximum(agg * nd[:, None] + b_ref[0], 0.0)
    ns = _norms(degp_ref, 0)
    xn = act * ns[:, None]
    o_ref[...] = jnp.dot(xn, w_ref[...], preferred_element_type=jnp.float32)


def _make_mid(DO):
    return pl.pallas_call(
        _mid_body,
        grid=(NB,),
        in_specs=[
            pl.BlockSpec((1, 2, NT, R), lambda i: (i, 0, 0, 0)),
            pl.BlockSpec((2, R, D), lambda i: (0, i, 0)),
            pl.BlockSpec((1, D), lambda i: (0, 0)),
            pl.BlockSpec((D, DO), lambda i: (0, 0)),
        ],
        out_specs=pl.BlockSpec((R, DO), lambda i: (i, 0)),
        out_shape=jax.ShapeDtypeStruct((N, DO), jnp.float32),
    )


_mid2 = _make_mid(D)
_mid3 = _make_mid(CLS)


def _fin_body(degp_ref, aggp_ref, b_ref, o_ref):
    nd = _norms(degp_ref, 1)
    agg = aggp_ref[0] + aggp_ref[1]
    o_ref[...] = agg * nd[:, None] + b_ref[0]


_fin = pl.pallas_call(
    _fin_body,
    grid=(NB,),
    in_specs=[
        pl.BlockSpec((1, 2, NT, R), lambda i: (i, 0, 0, 0)),
        pl.BlockSpec((2, R, CLS), lambda i: (0, i, 0)),
        pl.BlockSpec((1, CLS), lambda i: (0, 0)),
    ],
    out_specs=pl.BlockSpec((R, CLS), lambda i: (i, 0)),
    out_shape=jax.ShapeDtypeStruct((N, CLS), jnp.float32),
)


def kernel(features, edge_index, W1, b1, W2, b2, W3, b3):
    zeros_hr = jnp.zeros((HR, 16), jnp.float32)
    zeros_nd = jnp.zeros((N, D), jnp.float32)
    zeros_nc = jnp.zeros((N, CLS), jnp.float32)

    degp = (_deg_kernel(edge_index, zeros_hr)
            .reshape(2, NT, NB, R).transpose(2, 0, 1, 3))

    h1 = _tc1(degp, features, W1)
    a1 = _agg_d(h1, edge_index, zeros_nd)
    h2 = _mid2(degp, a1, b1[None, :], W2)
    a2 = _agg_d(h2, edge_index, zeros_nd)
    h3 = _mid3(degp, a2, b2[None, :], W3)
    a3 = _agg_c(h3, edge_index, zeros_nc)
    return _fin(degp, a3, b3[None, :])

# --- scband reference (transcript-rebuilt; emitter-appended) ---
"""Pipeline reference for scband-gcn-6536940225174 (READ-ONLY COPY).

The authoritative reference and input builder live on the scoring server;
editing this copy changes nothing except your own understanding.
"""

import jax, jax.numpy as jnp
import numpy as np

N = 10000
E = 320000
D_IN = 128
D_H = 128
N_CLASSES = 64


def setup_inputs(seed: int = 0) -> dict:
    key = jax.random.key(seed)
    ks = jax.random.split(key, 8)
    features = jax.random.normal(ks[0], (N, D_IN), dtype=jnp.float32)
    edge_index = jax.random.randint(ks[1], (2, E), 0, N, dtype=jnp.int32)
    W1 = jax.random.normal(ks[2], (D_IN, D_H), dtype=jnp.float32) * 0.05
    b1 = jnp.zeros((D_H,), dtype=jnp.float32)
    W2 = jax.random.normal(ks[3], (D_H, D_H), dtype=jnp.float32) * 0.05
    b2 = jnp.zeros((D_H,), dtype=jnp.float32)
    W3 = jax.random.normal(ks[4], (D_H, N_CLASSES), dtype=jnp.float32) * 0.05
    b3 = jnp.zeros((N_CLASSES,), dtype=jnp.float32)
    return {"features": features, "edge_index": edge_index,
            "W1": W1, "b1": b1, "W2": W2, "b2": b2, "W3": W3, "b3": b3}


def _graph_conv(x, src, dst, W, b, apply_act):
    # DGL GraphConv with norm='both':
    # h = D_dst^{-1/2} * A^T * (D_src^{-1/2} * x) * W + b
    ones_e = jnp.ones((src.shape[0],), dtype=jnp.float32)
    deg_out = jax.ops.segment_sum(ones_e, src, num_segments=N)
    deg_in = jax.ops.segment_sum(ones_e, dst, num_segments=N)
    norm_src = jnp.clip(deg_out, 1.0, None) ** -0.5
    norm_dst = jnp.clip(deg_in, 1.0, None) ** -0.5
    h = x * norm_src[:, None]
    h = h @ W
    # gather messages from src nodes, scatter-add to dst nodes
    msg = jnp.take(h, src, axis=0)
    agg = jax.ops.segment_sum(msg, dst, num_segments=N)
    out = agg * norm_dst[:, None] + b
    if apply_act:
        out = jax.nn.relu(out)
    return out


def reference(features, edge_index, W1, b1, W2, b2, W3, b3):
    src = edge_index[0]
    dst = edge_index[1]
    # full-graph MFGs: num_dst_nodes == N for each block, so h_dst = h
    h = _graph_conv(features, src, dst, W1, b1, True)
    # dropout p=0.0 -> identity
    h = _graph_conv(h, src, dst, W2, b2, True)
    h = _graph_conv(h, src, dst, W3, b3, False)
    return h

if __name__ == "__main__":
    import jax
    _d = setup_inputs()
    print(jax.jit(kernel)(*tuple(_d.values())))

</pallas_src>

<mosaic_0001>
#map = affine_map<(d0, d1) -> (0, 0)>
#map1 = affine_map<(d0, d1) -> (0, 0, 0)>
module attributes {stable_mosaic.version = 14 : i64} {
  func.func @agg(%arg0: i32, %arg1: i32, %arg2: memref<10000x128xf32, #tpu.memory_space<hbm>>, %arg3: memref<2x320000xi32, #tpu.memory_space<hbm>>, %arg4: memref<10000x128xf32, #tpu.memory_space<hbm>>, %arg5: memref<2x10000x128xf32, #tpu.memory_space<hbm>>, %arg6: memref<10000x128xf32, #tpu.memory_space<vmem_shared>>, %arg7: memref<320x128xf32, #tpu.memory_space<vmem>>, %arg8: memref<320xi32, #tpu.memory_space<vmem>>, %arg9: memref<320xi32, #tpu.memory_space<vmem>>, %arg10: memref<!tpu.dma_semaphore, #tpu.memory_space<semaphore_mem>>) attributes {dimension_semantics = [#tpu.dimension_semantics<core_parallel>, #tpu.dimension_semantics<subcore_parallel>], iteration_bounds = array<i64: 2, 16>, scalar_prefetch = 0 : i64, scratch_operands = 5 : i64, tpu.core_type = #tpu.core_type<sc_vector_subcore>, window_params = [{transform_indices = #map}, {transform_indices = #map}, {transform_indices = #map}, {transform_indices = #map1}]} {
    %mul3A = arith.constant 500 : i32
    %mul3A_0 = arith.muli %arg0, %mul3A : i32
    %mul3A_1 = arith.constant 31 : i32
    %mul3A_2 = arith.muli %arg1, %mul3A_1 : i32
    %add3A = arith.addi %mul3A_0, %mul3A_2 : i32
    %min3A = arith.constant 4 : i32
    %min3A_3 = arith.minsi %arg1, %min3A : i32
    %add3A_4 = arith.addi %add3A, %min3A_3 : i32
    %lt3A = arith.constant 4 : i32
    %lt3A_5 = arith.cmpi slt, %arg1, %lt3A : i32
    %jit3A = arith.constant 1 : i32
    %jit3A_6 = arith.constant 0 : i32
    %select_n3A = arith.select %lt3A_5, %jit3A, %jit3A_6 : i32
    %add3A_7 = arith.constant 31 : i32
    %add3A_8 = arith.addi %add3A_7, %select_n3A : i32
    %mul3A_9 = arith.constant 625 : i32
    %mul3A_10 = arith.muli %arg1, %mul3A_9 : i32
    %mul3A_11 = arith.constant 625 : i32
    %mul3A_12 = arith.muli %arg1, %mul3A_11 : i32
    "tpu.region"() ({
      %run_scoped3A = tpu.sem_alloc : memref<!tpu.dma_semaphore, #tpu.memory_space<semaphore_mem>>
      %dma_start3A = arith.constant 0 : i32
      %dma_start3A_27 = tpu.memref_slice %arg6[%mul3A_12, %dma_start3A] : memref<10000x128xf32, #tpu.memory_space<vmem_shared>> -> memref<625x128xf32, #tpu.memory_space<vmem_shared>>
      %dma_start3A_28 = arith.constant 0 : i32
      %dma_start3A_29 = tpu.memref_slice %arg4[%mul3A_10, %dma_start3A_28] : memref<10000x128xf32, #tpu.memory_space<hbm>> -> memref<625x128xf32, #tpu.memory_space<hbm>>
      tpu.enqueue_dma source(%dma_start3A_29 : memref<625x128xf32, #tpu.memory_space<hbm>>) target(%dma_start3A_27 : memref<625x128xf32, #tpu.memory_space<vmem_shared>>) target_semaphore(%run_scoped3A : memref<!tpu.dma_semaphore, #tpu.memory_space<semaphore_mem>>)
      %dma_wait3A = arith.constant 0 : i32
      %dma_wait3A_30 = tpu.memref_slice %arg6[%mul3A_12, %dma_wait3A] : memref<10000x128xf32, #tpu.memory_space<vmem_shared>> -> memref<625x128xf32, #tpu.memory_space<vmem_shared>>
      %dma_wait3A_31 = arith.constant 0 : i32
      %dma_wait3A_32 = tpu.memref_slice %arg4[%mul3A_10, %dma_wait3A_31] : memref<10000x128xf32, #tpu.memory_space<hbm>> -> memref<625x128xf32, #tpu.memory_space<hbm>>
      tpu.wait_dma2 semaphore(%run_scoped3A : memref<!tpu.dma_semaphore, #tpu.memory_space<semaphore_mem>>) src(%dma_wait3A_32 : memref<625x128xf32, #tpu.memory_space<hbm>>) dst(%dma_wait3A_30 : memref<625x128xf32, #tpu.memory_space<vmem_shared>>)
      tpu.yield
    }) : () -> ()
    %barrier3A = arith.constant 0 : index
    tpu.barrier barrier_id(%barrier3A)
    %while3A = arith.constant 0 : i32
    %while3A_13 = arith.constant 0 : i32
    %while3A_14 = arith.subi %add3A_8, %while3A_13 : i32
    %while3A_15 = arith.addi %while3A_13, %while3A_14 : i32
    %while3A_16 = arith.constant 1 : i32
    %while3A_17 = arith.divsi %while3A_14, %while3A_16 : i32
    %while3A_18 = arith.muli %while3A_17, %while3A_16 : i32
    %while3A_19 = arith.addi %while3A_13, %while3A_18 : i32
    %while3A_20 = arith.constant 1 : i32
    scf.for %while3A_27 = %while3A_13 to %while3A_19 step %while3A_20  : i32 {
      %add3A_28 = arith.addi %add3A_4, %while3A_27 : i32
      %mul3A_29 = arith.constant 320 : i32
      %mul3A_30 = arith.muli %add3A_28, %mul3A_29 : i32
      %run_scoped3A = arith.constant 0 : i32
      "tpu.region"() ({
        %run_scoped3A_36 = tpu.sem_alloc : memref<!tpu.dma_semaphore, #tpu.memory_space<semaphore_mem>>
        %dma_start3A_37 = arith.constant 0 : i32
        %dma_start3A_38 = tpu.memref_slice %arg3[%run_scoped3A, %dma_start3A_37] : memref<2x320000xi32, #tpu.memory_space<hbm>> -> memref<1x320000xi32, #tpu.memory_space<hbm>>
        %dma_start3A_39 = tpu.memref_squeeze %dma_start3A_38 : memref<1x320000xi32, #tpu.memory_space<hbm>> -> memref<320000xi32, #tpu.memory_space<hbm>>
        %dma_start3A_40 = tpu.memref_slice %dma_start3A_39[%mul3A_30] : memref<320000xi32, #tpu.memory_space<hbm>> -> memref<320xi32, #tpu.memory_space<hbm>>
        %dma_start3A_41 = arith.constant 0 : i32
        %dma_start3A_42 = tpu.memref_slice %arg3[%run_scoped3A, %dma_start3A_41] : memref<2x320000xi32, #tpu.memory_space<hbm>> -> memref<1x320000xi32, #tpu.memory_space<hbm>>
        %dma_start3A_43 = tpu.memref_squeeze %dma_start3A_42 : memref<1x320000xi32, #tpu.memory_space<hbm>> -> memref<320000xi32, #tpu.memory_space<hbm>>
        %dma_start3A_44 = tpu.memref_slice %dma_start3A_43[%mul3A_30] : memref<320000xi32, #tpu.memory_space<hbm>> -> memref<320xi32, #tpu.memory_space<hbm>>
        tpu.enqueue_dma source(%dma_start3A_44 : memref<320xi32, #tpu.memory_space<hbm>>) target(%arg8 : memref<320xi32, #tpu.memory_space<vmem>>) target_semaphore(%run_scoped3A_36 : memref<!tpu.dma_semaphore, #tpu.memory_space<semaphore_mem>>)
        %dma_wait3A_45 = arith.constant 0 : i32
        %dma_wait3A_46 = tpu.memref_slice %arg3[%run_scoped3A, %dma_wait3A_45] : memref<2x320000xi32, #tpu.memory_space<hbm>> -> memref<1x320000xi32, #tpu.memory_space<hbm>>
        %dma_wait3A_47 = tpu.memref_squeeze %dma_wait3A_46 : memref<1x320000xi32, #tpu.memory_space<hbm>> -> memref<320000xi32, #tpu.memory_space<hbm>>
        %dma_wait3A_48 = tpu.memref_slice %dma_wait3A_47[%mul3A_30] : memref<320000xi32, #tpu.memory_space<hbm>> -> memref<320xi32, #tpu.memory_space<hbm>>
        %dma_wait3A_49 = arith.constant 0 : i32
        %dma_wait3A_50 = tpu.memref_slice %arg3[%run_scoped3A, %dma_wait3A_49] : memref<2x320000xi32, #tpu.memory_space<hbm>> -> memref<1x320000xi32, #tpu.memory_space<hbm>>
        %dma_wait3A_51 = tpu.memref_squeeze %dma_wait3A_50 : memref<1x320000xi32, #tpu.memory_space<hbm>> -> memref<320000xi32, #tpu.memory_space<hbm>>
        %dma_wait3A_52 = tpu.memref_slice %dma_wait3A_51[%mul3A_30] : memref<320000xi32, #tpu.memory_space<hbm>> -> memref<320xi32, #tpu.memory_space<hbm>>
        tpu.wait_dma2 semaphore(%run_scoped3A_36 : memref<!tpu.dma_semaphore, #tpu.memory_space<semaphore_mem>>) src(%dma_wait3A_52 : memref<320xi32, #tpu.memory_space<hbm>>) dst(%arg8 : memref<320xi32, #tpu.memory_space<vmem>>)
        tpu.yield
      }) : () -> ()
      %run_scoped3A_31 = arith.constant 1 : i32
      "tpu.region"() ({
        %run_scoped3A_36 = tpu.sem_alloc : memref<!tpu.dma_semaphore, #tpu.memory_space<semaphore_mem>>
        %dma_start3A_37 = arith.constant 0 : i32
        %dma_start3A_38 = tpu.memref_slice %arg3[%run_scoped3A_31, %dma_start3A_37] : memref<2x320000xi32, #tpu.memory_space<hbm>> -> memref<1x320000xi32, #tpu.memory_space<hbm>>
        %dma_start3A_39 = tpu.memref_squeeze %dma_start3A_38 : memref<1x320000xi32, #tpu.memory_space<hbm>> -> memref<320000xi32, #tpu.memory_space<hbm>>
        %dma_start3A_40 = tpu.memref_slice %dma_start3A_39[%mul3A_30] : memref<320000xi32, #tpu.memory_space<hbm>> -> memref<320xi32, #tpu.memory_space<hbm>>
        %dma_start3A_41 = arith.constant 0 : i32
        %dma_start3A_42 = tpu.memref_slice %arg3[%run_scoped3A_31, %dma_start3A_41] : memref<2x320000xi32, #tpu.memory_space<hbm>> -> memref<1x320000xi32, #tpu.memory_space<hbm>>
        %dma_start3A_43 = tpu.memref_squeeze %dma_start3A_42 : memref<1x320000xi32, #tpu.memory_space<hbm>> -> memref<320000xi32, #tpu.memory_space<hbm>>
        %dma_start3A_44 = tpu.memref_slice %dma_start3A_43[%mul3A_30] : memref<320000xi32, #tpu.memory_space<hbm>> -> memref<320xi32, #tpu.memory_space<hbm>>
        tpu.enqueue_dma source(%dma_start3A_44 : memref<320xi32, #tpu.memory_space<hbm>>) target(%arg9 : memref<320xi32, #tpu.memory_space<vmem>>) target_semaphore(%run_scoped3A_36 : memref<!tpu.dma_semaphore, #tpu.memory_space<semaphore_mem>>)
        %dma_wait3A_45 = arith.constant 0 : i32
        %dma_wait3A_46 = tpu.memref_slice %arg3[%run_scoped3A_31, %dma_wait3A_45] : memref<2x320000xi32, #tpu.memory_space<hbm>> -> memref<1x320000xi32, #tpu.memory_space<hbm>>
        %dma_wait3A_47 = tpu.memref_squeeze %dma_wait3A_46 : memref<1x320000xi32, #tpu.memory_space<hbm>> -> memref<320000xi32, #tpu.memory_space<hbm>>
        %dma_wait3A_48 = tpu.memref_slice %dma_wait3A_47[%mul3A_30] : memref<320000xi32, #tpu.memory_space<hbm>> -> memref<320xi32, #tpu.memory_space<hbm>>
        %dma_wait3A_49 = arith.constant 0 : i32
        %dma_wait3A_50 = tpu.memref_slice %arg3[%run_scoped3A_31, %dma_wait3A_49] : memref<2x320000xi32, #tpu.memory_space<hbm>> -> memref<1x320000xi32, #tpu.memory_space<hbm>>
        %dma_wait3A_51 = tpu.memref_squeeze %dma_wait3A_50 : memref<1x320000xi32, #tpu.memory_space<hbm>> -> memref<320000xi32, #tpu.memory_space<hbm>>
        %dma_wait3A_52 = tpu.memref_slice %dma_wait3A_51[%mul3A_30] : memref<320000xi32, #tpu.memory_space<hbm>> -> memref<320xi32, #tpu.memory_space<hbm>>
        tpu.wait_dma2 semaphore(%run_scoped3A_36 : memref<!tpu.dma_semaphore, #tpu.memory_space<semaphore_mem>>) src(%dma_wait3A_52 : memref<320xi32, #tpu.memory_space<hbm>>) dst(%arg9 : memref<320xi32, #tpu.memory_space<vmem>>)
        tpu.yield
      }) : () -> ()
      %dma_start3A = arith.constant 0 : i32
      %dma_start3A_32 = arith.constant 0 : i32
      %dma_start3A_33 = tpu.memref_slice %arg2[%dma_start3A, %dma_start3A_32] : memref<10000x128xf32, #tpu.memory_space<hbm>> -> memref<10000x128xf32, #tpu.memory_space<hbm>>
      tpu.enqueue_indirect_dma source(%dma_start3A_33 : memref<10000x128xf32, #tpu.memory_space<hbm>>) target(%arg7 : memref<320x128xf32, #tpu.memory_space<vmem>>) offsets(%arg8 : memref<320xi32, #tpu.memory_space<vmem>>) semaphore(%arg10 : memref<!tpu.dma_semaphore, #tpu.memory_space<semaphore_mem>>)
      %dma_wait3A = arith.constant 0 : i32
      %dma_wait3A_34 = arith.constant 0 : i32
      %dma_wait3A_35 = tpu.memref_slice %arg2[%dma_wait3A, %dma_wait3A_34] : memref<10000x128xf32, #tpu.memory_space<hbm>> -> memref<10000x128xf32, #tpu.memory_space<hbm>>
      tpu.wait_indirect_dma semaphore(%arg10 : memref<!tpu.dma_semaphore, #tpu.memory_space<semaphore_mem>>) src(%dma_wait3A_35 : memref<10000x128xf32, #tpu.memory_space<hbm>>) dst(%arg7 : memref<320x128xf32, #tpu.memory_space<vmem>>)
      "tpu.region"() ({
        %run_scoped3A_36 = tpu.sem_alloc : memref<!tpu.dma_semaphore, #tpu.memory_space<semaphore_mem>>
        %dma_start3A_37 = arith.constant 0 : i32
        %dma_start3A_38 = arith.constant 0 : i32
        %dma_start3A_39 = tpu.memref_slice %arg6[%dma_start3A_37, %dma_start3A_38] : memref<10000x128xf32, #tpu.memory_space<vmem_shared>> -> memref<10000x128xf32, #tpu.memory_space<vmem_shared>>
        tpu.enqueue_indirect_dma source(%arg7 : memref<320x128xf32, #tpu.memory_space<vmem>>) target(%dma_start3A_39 : memref<10000x128xf32, #tpu.memory_space<vmem_shared>>) offsets(%arg9 : memref<320xi32, #tpu.memory_space<vmem>>) semaphore(%run_scoped3A_36 : memref<!tpu.dma_semaphore, #tpu.memory_space<semaphore_mem>>) {add = true}
        %dma_wait3A_40 = arith.constant 0 : i32
        %dma_wait3A_41 = arith.constant 0 : i32
        %dma_wait3A_42 = tpu.memref_slice %arg6[%dma_wait3A_40, %dma_wait3A_41] : memref<10000x128xf32, #tpu.memory_space<vmem_shared>> -> memref<10000x128xf32, #tpu.memory_space<vmem_shared>>
        tpu.wait_indirect_dma semaphore(%run_scoped3A_36 : memref<!tpu.dma_semaphore, #tpu.memory_space<semaphore_mem>>) src(%arg7 : memref<320x128xf32, #tpu.memory_space<vmem>>) dst(%dma_wait3A_42 : memref<10000x128xf32, #tpu.memory_space<vmem_shared>>)
        tpu.yield
      }) : () -> ()
    }
    %while3A_21 = arith.constant 1 : i32
    scf.for %while3A_27 = %while3A_19 to %while3A_15 step %while3A_21  : i32 {
      %add3A_28 = arith.addi %add3A_4, %while3A_27 : i32
      %mul3A_29 = arith.constant 320 : i32
      %mul3A_30 = arith.muli %add3A_28, %mul3A_29 : i32
      %run_scoped3A = arith.constant 0 : i32
      "tpu.region"() ({
        %run_scoped3A_36 = tpu.sem_alloc : memref<!tpu.dma_semaphore, #tpu.memory_space<semaphore_mem>>
        %dma_start3A_37 = arith.constant 0 : i32
        %dma_start3A_38 = tpu.memref_slice %arg3[%run_scoped3A, %dma_start3A_37] : memref<2x320000xi32, #tpu.memory_space<hbm>> -> memref<1x320000xi32, #tpu.memory_space<hbm>>
        %dma_start3A_39 = tpu.memref_squeeze %dma_start3A_38 : memref<1x320000xi32, #tpu.memory_space<hbm>> -> memref<320000xi32, #tpu.memory_space<hbm>>
        %dma_start3A_40 = tpu.memref_slice %dma_start3A_39[%mul3A_30] : memref<320000xi32, #tpu.memory_space<hbm>> -> memref<320xi32, #tpu.memory_space<hbm>>
        %dma_start3A_41 = arith.constant 0 : i32
        %dma_start3A_42 = tpu.memref_slice %arg3[%run_scoped3A, %dma_start3A_41] : memref<2x320000xi32, #tpu.memory_space<hbm>> -> memref<1x320000xi32, #tpu.memory_space<hbm>>
        %dma_start3A_43 = tpu.memref_squeeze %dma_start3A_42 : memref<1x320000xi32, #tpu.memory_space<hbm>> -> memref<320000xi32, #tpu.memory_space<hbm>>
        %dma_start3A_44 = tpu.memref_slice %dma_start3A_43[%mul3A_30] : memref<320000xi32, #tpu.memory_space<hbm>> -> memref<320xi32, #tpu.memory_space<hbm>>
        tpu.enqueue_dma source(%dma_start3A_44 : memref<320xi32, #tpu.memory_space<hbm>>) target(%arg8 : memref<320xi32, #tpu.memory_space<vmem>>) target_semaphore(%run_scoped3A_36 : memref<!tpu.dma_semaphore, #tpu.memory_space<semaphore_mem>>)
        %dma_wait3A_45 = arith.constant 0 : i32
        %dma_wait3A_46 = tpu.memref_slice %arg3[%run_scoped3A, %dma_wait3A_45] : memref<2x320000xi32, #tpu.memory_space<hbm>> -> memref<1x320000xi32, #tpu.memory_space<hbm>>
        %dma_wait3A_47 = tpu.memref_squeeze %dma_wait3A_46 : memref<1x320000xi32, #tpu.memory_space<hbm>> -> memref<320000xi32, #tpu.memory_space<hbm>>
        %dma_wait3A_48 = tpu.memref_slice %dma_wait3A_47[%mul3A_30] : memref<320000xi32, #tpu.memory_space<hbm>> -> memref<320xi32, #tpu.memory_space<hbm>>
        %dma_wait3A_49 = arith.constant 0 : i32
        %dma_wait3A_50 = tpu.memref_slice %arg3[%run_scoped3A, %dma_wait3A_49] : memref<2x320000xi32, #tpu.memory_space<hbm>> -> memref<1x320000xi32, #tpu.memory_space<hbm>>
        %dma_wait3A_51 = tpu.memref_squeeze %dma_wait3A_50 : memref<1x320000xi32, #tpu.memory_space<hbm>> -> memref<320000xi32, #tpu.memory_space<hbm>>
        %dma_wait3A_52 = tpu.memref_slice %dma_wait3A_51[%mul3A_30] : memref<320000xi32, #tpu.memory_space<hbm>> -> memref<320xi32, #tpu.memory_space<hbm>>
        tpu.wait_dma2 semaphore(%run_scoped3A_36 : memref<!tpu.dma_semaphore, #tpu.memory_space<semaphore_mem>>) src(%dma_wait3A_52 : memref<320xi32, #tpu.memory_space<hbm>>) dst(%arg8 : memref<320xi32, #tpu.memory_space<vmem>>)
        tpu.yield
      }) : () -> ()
      %run_scoped3A_31 = arith.constant 1 : i32
      "tpu.region"() ({
        %run_scoped3A_36 = tpu.sem_alloc : memref<!tpu.dma_semaphore, #tpu.memory_space<semaphore_mem>>
        %dma_start3A_37 = arith.constant 0 : i32
        %dma_start3A_38 = tpu.memref_slice %arg3[%run_scoped3A_31, %dma_start3A_37] : memref<2x320000xi32, #tpu.memory_space<hbm>> -> memref<1x320000xi32, #tpu.memory_space<hbm>>
        %dma_start3A_39 = tpu.memref_squeeze %dma_start3A_38 : memref<1x320000xi32, #tpu.memory_space<hbm>> -> memref<320000xi32, #tpu.memory_space<hbm>>
        %dma_start3A_40 = tpu.memref_slice %dma_start3A_39[%mul3A_30] : memref<320000xi32, #tpu.memory_space<hbm>> -> memref<320xi32, #tpu.memory_space<hbm>>
        %dma_start3A_41 = arith.constant 0 : i32
        %dma_start3A_42 = tpu.memref_slice %arg3[%run_scoped3A_31, %dma_start3A_41] : memref<2x320000xi32, #tpu.memory_space<hbm>> -> memref<1x320000xi32, #tpu.memory_space<hbm>>
        %dma_start3A_43 = tpu.memref_squeeze %dma_start3A_42 : memref<1x320000xi32, #tpu.memory_space<hbm>> -> memref<320000xi32, #tpu.memory_space<hbm>>
        %dma_start3A_44 = tpu.memref_slice %dma_start3A_43[%mul3A_30] : memref<320000xi32, #tpu.memory_space<hbm>> -> memref<320xi32, #tpu.memory_space<hbm>>
        tpu.enqueue_dma source(%dma_start3A_44 : memref<320xi32, #tpu.memory_space<hbm>>) target(%arg9 : memref<320xi32, #tpu.memory_space<vmem>>) target_semaphore(%run_scoped3A_36 : memref<!tpu.dma_semaphore, #tpu.memory_space<semaphore_mem>>)
        %dma_wait3A_45 = arith.constant 0 : i32
        %dma_wait3A_46 = tpu.memref_slice %arg3[%run_scoped3A_31, %dma_wait3A_45] : memref<2x320000xi32, #tpu.memory_space<hbm>> -> memref<1x320000xi32, #tpu.memory_space<hbm>>
        %dma_wait3A_47 = tpu.memref_squeeze %dma_wait3A_46 : memref<1x320000xi32, #tpu.memory_space<hbm>> -> memref<320000xi32, #tpu.memory_space<hbm>>
        %dma_wait3A_48 = tpu.memref_slice %dma_wait3A_47[%mul3A_30] : memref<320000xi32, #tpu.memory_space<hbm>> -> memref<320xi32, #tpu.memory_space<hbm>>
        %dma_wait3A_49 = arith.constant 0 : i32
        %dma_wait3A_50 = tpu.memref_slice %arg3[%run_scoped3A_31, %dma_wait3A_49] : memref<2x320000xi32, #tpu.memory_space<hbm>> -> memref<1x320000xi32, #tpu.memory_space<hbm>>
        %dma_wait3A_51 = tpu.memref_squeeze %dma_wait3A_50 : memref<1x320000xi32, #tpu.memory_space<hbm>> -> memref<320000xi32, #tpu.memory_space<hbm>>
        %dma_wait3A_52 = tpu.memref_slice %dma_wait3A_51[%mul3A_30] : memref<320000xi32, #tpu.memory_space<hbm>> -> memref<320xi32, #tpu.memory_space<hbm>>
        tpu.wait_dma2 semaphore(%run_scoped3A_36 : memref<!tpu.dma_semaphore, #tpu.memory_space<semaphore_mem>>) src(%dma_wait3A_52 : memref<320xi32, #tpu.memory_space<hbm>>) dst(%arg9 : memref<320xi32, #tpu.memory_space<vmem>>)
        tpu.yield
      }) : () -> ()
      %dma_start3A = arith.constant 0 : i32
      %dma_start3A_32 = arith.constant 0 : i32
      %dma_start3A_33 = tpu.memref_slice %arg2[%dma_start3A, %dma_start3A_32] : memref<10000x128xf32, #tpu.memory_space<hbm>> -> memref<10000x128xf32, #tpu.memory_space<hbm>>
      tpu.enqueue_indirect_dma source(%dma_start3A_33 : memref<10000x128xf32, #tpu.memory_space<hbm>>) target(%arg7 : memref<320x128xf32, #tpu.memory_space<vmem>>) offsets(%arg8 : memref<320xi32, #tpu.memory_space<vmem>>) semaphore(%arg10 : memref<!tpu.dma_semaphore, #tpu.memory_space<semaphore_mem>>)
      %dma_wait3A = arith.constant 0 : i32
      %dma_wait3A_34 = arith.constant 0 : i32
      %dma_wait3A_35 = tpu.memref_slice %arg2[%dma_wait3A, %dma_wait3A_34] : memref<10000x128xf32, #tpu.memory_space<hbm>> -> memref<10000x128xf32, #tpu.memory_space<hbm>>
      tpu.wait_indirect_dma semaphore(%arg10 : memref<!tpu.dma_semaphore, #tpu.memory_space<semaphore_mem>>) src(%dma_wait3A_35 : memref<10000x128xf32, #tpu.memory_space<hbm>>) dst(%arg7 : memref<320x128xf32, #tpu.memory_space<vmem>>)
      "tpu.region"() ({
        %run_scoped3A_36 = tpu.sem_alloc : memref<!tpu.dma_semaphore, #tpu.memory_space<semaphore_mem>>
        %dma_start3A_37 = arith.constant 0 : i32
        %dma_start3A_38 = arith.constant 0 : i32
        %dma_start3A_39 = tpu.memref_slice %arg6[%dma_start3A_37, %dma_start3A_38] : memref<10000x128xf32, #tpu.memory_space<vmem_shared>> -> memref<10000x128xf32, #tpu.memory_space<vmem_shared>>
        tpu.enqueue_indirect_dma source(%arg7 : memref<320x128xf32, #tpu.memory_space<vmem>>) target(%dma_start3A_39 : memref<10000x128xf32, #tpu.memory_space<vmem_shared>>) offsets(%arg9 : memref<320xi32, #tpu.memory_space<vmem>>) semaphore(%run_scoped3A_36 : memref<!tpu.dma_semaphore, #tpu.memory_space<semaphore_mem>>) {add = true}
        %dma_wait3A_40 = arith.constant 0 : i32
        %dma_wait3A_41 = arith.constant 0 : i32
        %dma_wait3A_42 = tpu.memref_slice %arg6[%dma_wait3A_40, %dma_wait3A_41] : memref<10000x128xf32, #tpu.memory_space<vmem_shared>> -> memref<10000x128xf32, #tpu.memory_space<vmem_shared>>
        tpu.wait_indirect_dma semaphore(%run_scoped3A_36 : memref<!tpu.dma_semaphore, #tpu.memory_space<semaphore_mem>>) src(%arg7 : memref<320x128xf32, #tpu.memory_space<vmem>>) dst(%dma_wait3A_42 : memref<10000x128xf32, #tpu.memory_space<vmem_shared>>)
        tpu.yield
      }) : () -> ()
    }
    %barrier3A_22 = arith.constant 0 : index
    tpu.barrier barrier_id(%barrier3A_22)
    %mul3A_23 = arith.constant 625 : i32
    %mul3A_24 = arith.muli %arg1, %mul3A_23 : i32
    %mul3A_25 = arith.constant 625 : i32
    %mul3A_26 = arith.muli %arg1, %mul3A_25 : i32
    "tpu.region"() ({
      %run_scoped3A = tpu.sem_alloc : memref<!tpu.dma_semaphore, #tpu.memory_space<semaphore_mem>>
      %dma_start3A = arith.constant 0 : i32
      %dma_start3A_27 = arith.constant 0 : i32
      %dma_start3A_28 = tpu.memref_slice %arg5[%arg0, %dma_start3A, %dma_start3A_27] : memref<2x10000x128xf32, #tpu.memory_space<hbm>> -> memref<1x10000x128xf32, #tpu.memory_space<hbm>>
      %dma_start3A_29 = tpu.memref_squeeze %dma_start3A_28 : memref<1x10000x128xf32, #tpu.memory_space<hbm>> -> memref<10000x128xf32, #tpu.memory_space<hbm>>
      %dma_start3A_30 = arith.constant 0 : i32
      %dma_start3A_31 = tpu.memref_slice %dma_start3A_29[%mul3A_26, %dma_start3A_30] : memref<10000x128xf32, #tpu.memory_space<hbm>> -> memref<625x128xf32, #tpu.memory_space<hbm>>
      %dma_start3A_32 = arith.constant 0 : i32
      %dma_start3A_33 = tpu.memref_slice %arg6[%mul3A_24, %dma_start3A_32] : memref<10000x128xf32, #tpu.memory_space<vmem_shared>> -> memref<625x128xf32, #tpu.memory_space<vmem_shared>>
      tpu.enqueue_dma source(%dma_start3A_33 : memref<625x128xf32, #tpu.memory_space<vmem_shared>>) target(%dma_start3A_31 : memref<625x128xf32, #tpu.memory_space<hbm>>) target_semaphore(%run_scoped3A : memref<!tpu.dma_semaphore, #tpu.memory_space<semaphore_mem>>)
      %dma_wait3A = arith.constant 0 : i32
      %dma_wait3A_34 = arith.constant 0 : i32
      %dma_wait3A_35 = tpu.memref_slice %arg5[%arg0, %dma_wait3A, %dma_wait3A_34] : memref<2x10000x128xf32, #tpu.memory_space<hbm>> -> memref<1x10000x128xf32, #tpu.memory_space<hbm>>
      %dma_wait3A_36 = tpu.memref_squeeze %dma_wait3A_35 : memref<1x10000x128xf32, #tpu.memory_space<hbm>> -> memref<10000x128xf32, #tpu.memory_space<hbm>>
      %dma_wait3A_37 = arith.constant 0 : i32
      %dma_wait3A_38 = tpu.memref_slice %dma_wait3A_36[%mul3A_26, %dma_wait3A_37] : memref<10000x128xf32, #tpu.memory_space<hbm>> -> memref<625x128xf32, #tpu.memory_space<hbm>>
      %dma_wait3A_39 = arith.constant 0 : i32
      %dma_wait3A_40 = tpu.memref_slice %arg6[%mul3A_24, %dma_wait3A_39] : memref<10000x128xf32, #tpu.memory_space<vmem_shared>> -> memref<625x128xf32, #tpu.memory_space<vmem_shared>>
      tpu.wait_dma2 semaphore(%run_scoped3A : memref<!tpu.dma_semaphore, #tpu.memory_space<semaphore_mem>>) src(%dma_wait3A_40 : memref<625x128xf32, #tpu.memory_space<vmem_shared>>) dst(%dma_wait3A_38 : memref<625x128xf32, #tpu.memory_space<hbm>>)
      tpu.yield
    }) : () -> ()
    return
  }
}

#map = affine_map<(d0, d1) -> (0, 0)>
#map1 = affine_map<(d0, d1) -> (0, 0, 0, 0)>
module attributes {stable_mosaic.version = 14 : i64} {
  func.func @_deg_kernel(%arg0: i32, %arg1: i32, %arg2: memref<2x320000xi32, #tpu.memory_space<hbm>>, %arg3: memref<625x16xf32, #tpu.memory_space<hbm>>, %arg4: memref<2x16x625x16xf32, #tpu.memory_space<hbm>>, %arg5: memref<1280xi32, #tpu.memory_space<vmem>>, %arg6: memref<625x16xf32, #tpu.memory_space<vmem>>) attributes {dimension_semantics = [#tpu.dimension_semantics<core_parallel>, #tpu.dimension_semantics<subcore_parallel>], iteration_bounds = array<i64: 2, 16>, scalar_prefetch = 0 : i64, scratch_operands = 2 : i64, tpu.core_type = #tpu.core_type<sc_vector_subcore>, window_params = [{transform_indices = #map}, {transform_indices = #map}, {transform_indices = #map1}]} {
    %mul3A = arith.constant 15 : i32
    %mul3A_0 = arith.muli %arg1, %mul3A : i32
    %min3A = arith.constant 10 : i32
    %min3A_1 = arith.minsi %arg1, %min3A : i32
    %add3A = arith.addi %mul3A_0, %min3A_1 : i32
    %lt3A = arith.constant 10 : i32
    %lt3A_2 = arith.cmpi slt, %arg1, %lt3A : i32
    %jit3A = arith.constant 1 : i32
    %jit3A_3 = arith.constant 0 : i32
    %select_n3A = arith.select %lt3A_2, %jit3A, %jit3A_3 : i32
    %add3A_4 = arith.constant 15 : i32
    %add3A_5 = arith.addi %add3A_4, %select_n3A : i32
    "tpu.region"() ({
      %run_scoped3A = tpu.sem_alloc : memref<!tpu.dma_semaphore, #tpu.memory_space<semaphore_mem>>
      tpu.enqueue_dma source(%arg3 : memref<625x16xf32, #tpu.memory_space<hbm>>) target(%arg6 : memref<625x16xf32, #tpu.memory_space<vmem>>) target_semaphore(%run_scoped3A : memref<!tpu.dma_semaphore, #tpu.memory_space<semaphore_mem>>)
      tpu.wait_dma2 semaphore(%run_scoped3A : memref<!tpu.dma_semaphore, #tpu.memory_space<semaphore_mem>>) src(%arg3 : memref<625x16xf32, #tpu.memory_space<hbm>>) dst(%arg6 : memref<625x16xf32, #tpu.memory_space<vmem>>)
      tpu.yield
    }) : () -> ()
    %broadcast_in_dim3A = arith.constant 1.000000e+00 : f32
    %broadcast_in_dim3A_6 = vector.broadcast %broadcast_in_dim3A : f32 to vector<16xf32>
    %while3A = arith.constant 0 : i32
    %while3A_7 = arith.constant 0 : i32
    %while3A_8 = arith.subi %add3A_5, %while3A_7 : i32
    %while3A_9 = arith.addi %while3A_7, %while3A_8 : i32
    %while3A_10 = arith.constant 1 : i32
    %while3A_11 = arith.divsi %while3A_8, %while3A_10 : i32
    %while3A_12 = arith.muli %while3A_11, %while3A_10 : i32
    %while3A_13 = arith.addi %while3A_7, %while3A_12 : i32
    %while3A_14 = arith.constant 1 : i32
    scf.for %while3A_16 = %while3A_7 to %while3A_13 step %while3A_14  : i32 {
      %add3A_17 = arith.addi %add3A, %while3A_16 : i32
      %mul3A_18 = arith.constant 1280 : i32
      %mul3A_19 = arith.muli %add3A_17, %mul3A_18 : i32
      "tpu.region"() ({
        %run_scoped3A = tpu.sem_alloc : memref<!tpu.dma_semaphore, #tpu.memory_space<semaphore_mem>>
        %dma_start3A = arith.constant 0 : i32
        %dma_start3A_25 = tpu.memref_slice %arg2[%arg0, %dma_start3A] : memref<2x320000xi32, #tpu.memory_space<hbm>> -> memref<1x320000xi32, #tpu.memory_space<hbm>>
        %dma_start3A_26 = tpu.memref_squeeze %dma_start3A_25 : memref<1x320000xi32, #tpu.memory_space<hbm>> -> memref<320000xi32, #tpu.memory_space<hbm>>
        %dma_start3A_27 = tpu.memref_slice %dma_start3A_26[%mul3A_19] : memref<320000xi32, #tpu.memory_space<hbm>> -> memref<1280xi32, #tpu.memory_space<hbm>>
        %dma_start3A_28 = arith.constant 0 : i32
        %dma_start3A_29 = tpu.memref_slice %arg2[%arg0, %dma_start3A_28] : memref<2x320000xi32, #tpu.memory_space<hbm>> -> memref<1x320000xi32, #tpu.memory_space<hbm>>
        %dma_start3A_30 = tpu.memref_squeeze %dma_start3A_29 : memref<1x320000xi32, #tpu.memory_space<hbm>> -> memref<320000xi32, #tpu.memory_space<hbm>>
        %dma_start3A_31 = tpu.memref_slice %dma_start3A_30[%mul3A_19] : memref<320000xi32, #tpu.memory_space<hbm>> -> memref<1280xi32, #tpu.memory_space<hbm>>
        tpu.enqueue_dma source(%dma_start3A_31 : memref<1280xi32, #tpu.memory_space<hbm>>) target(%arg5 : memref<1280xi32, #tpu.memory_space<vmem>>) target_semaphore(%run_scoped3A : memref<!tpu.dma_semaphore, #tpu.memory_space<semaphore_mem>>)
        %dma_wait3A = arith.constant 0 : i32
        %dma_wait3A_32 = tpu.memref_slice %arg2[%arg0, %dma_wait3A] : memref<2x320000xi32, #tpu.memory_space<hbm>> -> memref<1x320000xi32, #tpu.memory_space<hbm>>
        %dma_wait3A_33 = tpu.memref_squeeze %dma_wait3A_32 : memref<1x320000xi32, #tpu.memory_space<hbm>> -> memref<320000xi32, #tpu.memory_space<hbm>>
        %dma_wait3A_34 = tpu.memref_slice %dma_wait3A_33[%mul3A_19] : memref<320000xi32, #tpu.memory_space<hbm>> -> memref<1280xi32, #tpu.memory_space<hbm>>
        %dma_wait3A_35 = arith.constant 0 : i32
        %dma_wait3A_36 = tpu.memref_slice %arg2[%arg0, %dma_wait3A_35] : memref<2x320000xi32, #tpu.memory_space<hbm>> -> memref<1x320000xi32, #tpu.memory_space<hbm>>
        %dma_wait3A_37 = tpu.memref_squeeze %dma_wait3A_36 : memref<1x320000xi32, #tpu.memory_space<hbm>> -> memref<320000xi32, #tpu.memory_space<hbm>>
        %dma_wait3A_38 = tpu.memref_slice %dma_wait3A_37[%mul3A_19] : memref<320000xi32, #tpu.memory_space<hbm>> -> memref<1280xi32, #tpu.memory_space<hbm>>
        tpu.wait_dma2 semaphore(%run_scoped3A : memref<!tpu.dma_semaphore, #tpu.memory_space<semaphore_mem>>) src(%dma_wait3A_38 : memref<1280xi32, #tpu.memory_space<hbm>>) dst(%arg5 : memref<1280xi32, #tpu.memory_space<vmem>>)
        tpu.yield
      }) : () -> ()
      %scan3A = arith.constant 0 : i32
      %scan3A_20 = arith.constant 0 : i32
      %scan3A_21 = arith.constant 80 : i32
      %scan3A_22 = arith.addi %scan3A_20, %scan3A_21 : i32
      %scan3A_23 = arith.constant 1 : i32
      scf.for %scan3A_25 = %scan3A_20 to %scan3A_22 step %scan3A_23  : i32 {
        %mul3A_26 = arith.constant 16 : i32
        %mul3A_27 = arith.muli %scan3A_25, %mul3A_26 : i32
        %get3A = arith.index_cast %mul3A_27 : i32 to index
        %get3A_28 = tpu.vector_load %arg5[%get3A] {strides = array<i32>} : memref<1280xi32, #tpu.memory_space<vmem>>, vector<16xi32>,
        %shift_right_logical3A = arith.constant 4 : i32
        %shift_right_logical3A_29 = vector.broadcast %shift_right_logical3A : i32 to vector<16xi32>
        %shift_right_logical3A_30 = arith.shrui %get3A_28, %shift_right_logical3A_29 : vector<16xi32>
        %and3A = arith.constant 15 : i32
        %and3A_31 = vector.broadcast %and3A : i32 to vector<16xi32>
        %and3A_32 = arith.andi %get3A_28, %and3A_31 : vector<16xi32>
        tpu.vector_store_idx %arg6[%shift_right_logical3A_30, %and3A_32], %broadcast_in_dim3A_6 {add = true} : memref<625x16xf32, #tpu.memory_space<vmem>>[vector<16xi32>, vector<16xi32>], vector<16xf32>,
      }
      %scan3A_24 = arith.constant 80 : i32
    }
    %while3A_15 = arith.constant 1 : i32
    scf.for %while3A_16 = %while3A_13 to %while3A_9 step %while3A_15  : i32 {
      %add3A_17 = arith.addi %add3A, %while3A_16 : i32
      %mul3A_18 = arith.constant 1280 : i32
      %mul3A_19 = arith.muli %add3A_17, %mul3A_18 : i32
      "tpu.region"() ({
        %run_scoped3A = tpu.sem_alloc : memref<!tpu.dma_semaphore, #tpu.memory_space<semaphore_mem>>
        %dma_start3A = arith.constant 0 : i32
        %dma_start3A_25 = tpu.memref_slice %arg2[%arg0, %dma_start3A] : memref<2x320000xi32, #tpu.memory_space<hbm>> -> memref<1x320000xi32, #tpu.memory_space<hbm>>
        %dma_start3A_26 = tpu.memref_squeeze %dma_start3A_25 : memref<1x320000xi32, #tpu.memory_space<hbm>> -> memref<320000xi32, #tpu.memory_space<hbm>>
        %dma_start3A_27 = tpu.memref_slice %dma_start3A_26[%mul3A_19] : memref<320000xi32, #tpu.memory_space<hbm>> -> memref<1280xi32, #tpu.memory_space<hbm>>
        %dma_start3A_28 = arith.constant 0 : i32
        %dma_start3A_29 = tpu.memref_slice %arg2[%arg0, %dma_start3A_28] : memref<2x320000xi32, #tpu.memory_space<hbm>> -> memref<1x320000xi32, #tpu.memory_space<hbm>>
        %dma_start3A_30 = tpu.memref_squeeze %dma_start3A_29 : memref<1x320000xi32, #tpu.memory_space<hbm>> -> memref<320000xi32, #tpu.memory_space<hbm>>
        %dma_start3A_31 = tpu.memref_slice %dma_start3A_30[%mul3A_19] : memref<320000xi32, #tpu.memory_space<hbm>> -> memref<1280xi32, #tpu.memory_space<hbm>>
        tpu.enqueue_dma source(%dma_start3A_31 : memref<1280xi32, #tpu.memory_space<hbm>>) target(%arg5 : memref<1280xi32, #tpu.memory_space<vmem>>) target_semaphore(%run_scoped3A : memref<!tpu.dma_semaphore, #tpu.memory_space<semaphore_mem>>)
        %dma_wait3A = arith.constant 0 : i32
        %dma_wait3A_32 = tpu.memref_slice %arg2[%arg0, %dma_wait3A] : memref<2x320000xi32, #tpu.memory_space<hbm>> -> memref<1x320000xi32, #tpu.memory_space<hbm>>
        %dma_wait3A_33 = tpu.memref_squeeze %dma_wait3A_32 : memref<1x320000xi32, #tpu.memory_space<hbm>> -> memref<320000xi32, #tpu.memory_space<hbm>>
        %dma_wait3A_34 = tpu.memref_slice %dma_wait3A_33[%mul3A_19] : memref<320000xi32, #tpu.memory_space<hbm>> -> memref<1280xi32, #tpu.memory_space<hbm>>
        %dma_wait3A_35 = arith.constant 0 : i32
        %dma_wait3A_36 = tpu.memref_slice %arg2[%arg0, %dma_wait3A_35] : memref<2x320000xi32, #tpu.memory_space<hbm>> -> memref<1x320000xi32, #tpu.memory_space<hbm>>
        %dma_wait3A_37 = tpu.memref_squeeze %dma_wait3A_36 : memref<1x320000xi32, #tpu.memory_space<hbm>> -> memref<320000xi32, #tpu.memory_space<hbm>>
        %dma_wait3A_38 = tpu.memref_slice %dma_wait3A_37[%mul3A_19] : memref<320000xi32, #tpu.memory_space<hbm>> -> memref<1280xi32, #tpu.memory_space<hbm>>
        tpu.wait_dma2 semaphore(%run_scoped3A : memref<!tpu.dma_semaphore, #tpu.memory_space<semaphore_mem>>) src(%dma_wait3A_38 : memref<1280xi32, #tpu.memory_space<hbm>>) dst(%arg5 : memref<1280xi32, #tpu.memory_space<vmem>>)
        tpu.yield
      }) : () -> ()
      %scan3A = arith.constant 0 : i32
      %scan3A_20 = arith.constant 0 : i32
      %scan3A_21 = arith.constant 80 : i32
      %scan3A_22 = arith.addi %scan3A_20, %scan3A_21 : i32
      %scan3A_23 = arith.constant 1 : i32
      scf.for %scan3A_25 = %scan3A_20 to %scan3A_22 step %scan3A_23  : i32 {
        %mul3A_26 = arith.constant 16 : i32
        %mul3A_27 = arith.muli %scan3A_25, %mul3A_26 : i32
        %get3A = arith.index_cast %mul3A_27 : i32 to index
        %get3A_28 = tpu.vector_load %arg5[%get3A] {strides = array<i32>} : memref<1280xi32, #tpu.memory_space<vmem>>, vector<16xi32>,
        %shift_right_logical3A = arith.constant 4 : i32
        %shift_right_logical3A_29 = vector.broadcast %shift_right_logical3A : i32 to vector<16xi32>
        %shift_right_logical3A_30 = arith.shrui %get3A_28, %shift_right_logical3A_29 : vector<16xi32>
        %and3A = arith.constant 15 : i32
        %and3A_31 = vector.broadcast %and3A : i32 to vector<16xi32>
        %and3A_32 = arith.andi %get3A_28, %and3A_31 : vector<16xi32>
        tpu.vector_store_idx %arg6[%shift_right_logical3A_30, %and3A_32], %broadcast_in_dim3A_6 {add = true} : memref<625x16xf32, #tpu.memory_space<vmem>>[vector<16xi32>, vector<16xi32>], vector<16xf32>,
      }
      %scan3A_24 = arith.constant 80 : i32
    }
    "tpu.region"() ({
      %run_scoped3A = tpu.sem_alloc : memref<!tpu.dma_semaphore, #tpu.memory_space<semaphore_mem>>
      %dma_start3A = arith.constant 0 : i32
      %dma_start3A_16 = arith.constant 0 : i32
      %dma_start3A_17 = tpu.memref_slice %arg4[%arg0, %arg1, %dma_start3A, %dma_start3A_16] : memref<2x16x625x16xf32, #tpu.memory_space<hbm>> -> memref<1x1x625x16xf32, #tpu.memory_space<hbm>>
      %dma_start3A_18 = tpu.memref_squeeze %dma_start3A_17 : memref<1x1x625x16xf32, #tpu.memory_space<hbm>> -> memref<625x16xf32, #tpu.memory_space<hbm>>
      %dma_start3A_19 = arith.constant 0 : i32
      %dma_start3A_20 = arith.constant 0 : i32
      %dma_start3A_21 = tpu.memref_slice %arg4[%arg0, %arg1, %dma_start3A_19, %dma_start3A_20] : memref<2x16x625x16xf32, #tpu.memory_space<hbm>> -> memref<1x1x625x16xf32, #tpu.memory_space<hbm>>
      %dma_start3A_22 = tpu.memref_squeeze %dma_start3A_21 : memref<1x1x625x16xf32, #tpu.memory_space<hbm>> -> memref<625x16xf32, #tpu.memory_space<hbm>>
      tpu.enqueue_dma source(%arg6 : memref<625x16xf32, #tpu.memory_space<vmem>>) target(%dma_start3A_22 : memref<625x16xf32, #tpu.memory_space<hbm>>) target_semaphore(%run_scoped3A : memref<!tpu.dma_semaphore, #tpu.memory_space<semaphore_mem>>)
      %dma_wait3A = arith.constant 0 : i32
      %dma_wait3A_23 = arith.constant 0 : i32
      %dma_wait3A_24 = tpu.memref_slice %arg4[%arg0, %arg1, %dma_wait3A, %dma_wait3A_23] : memref<2x16x625x16xf32, #tpu.memory_space<hbm>> -> memref<1x1x625x16xf32, #tpu.memory_space<hbm>>
      %dma_wait3A_25 = tpu.memref_squeeze %dma_wait3A_24 : memref<1x1x625x16xf32, #tpu.memory_space<hbm>> -> memref<625x16xf32, #tpu.memory_space<hbm>>
      %dma_wait3A_26 = arith.constant 0 : i32
      %dma_wait3A_27 = arith.constant 0 : i32
      %dma_wait3A_28 = tpu.memref_slice %arg4[%arg0, %arg1, %dma_wait3A_26, %dma_wait3A_27] : memref<2x16x625x16xf32, #tpu.memory_space<hbm>> -> memref<1x1x625x16xf32, #tpu.memory_space<hbm>>
      %dma_wait3A_29 = tpu.memref_squeeze %dma_wait3A_28 : memref<1x1x625x16xf32, #tpu.memory_space<hbm>> -> memref<625x16xf32, #tpu.memory_space<hbm>>
      tpu.wait_dma2 semaphore(%run_scoped3A : memref<!tpu.dma_semaphore, #tpu.memory_space<semaphore_mem>>) src(%arg6 : memref<625x16xf32, #tpu.memory_space<vmem>>) dst(%dma_wait3A_29 : memref<625x16xf32, #tpu.memory_space<hbm>>)
      tpu.yield
    }) : () -> ()
    return
  }
}

#map = affine_map<(d0, d1) -> (0, 0)>
#map1 = affine_map<(d0, d1) -> (0, 0, 0)>
module attributes {stable_mosaic.version = 14 : i64} {
  func.func @agg(%arg0: i32, %arg1: i32, %arg2: memref<10000x128xf32, #tpu.memory_space<hbm>>, %arg3: memref<2x320000xi32, #tpu.memory_space<hbm>>, %arg4: memref<10000x128xf32, #tpu.memory_space<hbm>>, %arg5: memref<2x10000x128xf32, #tpu.memory_space<hbm>>, %arg6: memref<10000x128xf32, #tpu.memory_space<vmem_shared>>, %arg7: memref<320x128xf32, #tpu.memory_space<vmem>>, %arg8: memref<320xi32, #tpu.memory_space<vmem>>, %arg9: memref<320xi32, #tpu.memory_space<vmem>>, %arg10: memref<!tpu.dma_semaphore, #tpu.memory_space<semaphore_mem>>) attributes {dimension_semantics = [#tpu.dimension_semantics<core_parallel>, #tpu.dimension_semantics<subcore_parallel>], iteration_bounds = array<i64: 2, 16>, scalar_prefetch = 0 : i64, scratch_operands = 5 : i64, tpu.core_type = #tpu.core_type<sc_vector_subcore>, window_params = [{transform_indices = #map}, {transform_indices = #map}, {transform_indices = #map}, {transform_indices = #map1}]} {
    %mul3A = arith.constant 500 : i32
    %mul3A_0 = arith.muli %arg0, %mul3A : i32
    %mul3A_1 = arith.constant 31 : i32
    %mul3A_2 = arith.muli %arg1, %mul3A_1 : i32
    %add3A = arith.addi %mul3A_0, %mul3A_2 : i32
    %min3A = arith.constant 4 : i32
    %min3A_3 = arith.minsi %arg1, %min3A : i32
    %add3A_4 = arith.addi %add3A, %min3A_3 : i32
    %lt3A = arith.constant 4 : i32
    %lt3A_5 = arith.cmpi slt, %arg1, %lt3A : i32
    %jit3A = arith.constant 1 : i32
    %jit3A_6 = arith.constant 0 : i32
    %select_n3A = arith.select %lt3A_5, %jit3A, %jit3A_6 : i32
    %add3A_7 = arith.constant 31 : i32
    %add3A_8 = arith.addi %add3A_7, %select_n3A : i32
    %mul3A_9 = arith.constant 625 : i32
    %mul3A_10 = arith.muli %arg1, %mul3A_9 : i32
    %mul3A_11 = arith.constant 625 : i32
    %mul3A_12 = arith.muli %arg1, %mul3A_11 : i32
    "tpu.region"() ({
      %run_scoped3A = tpu.sem_alloc : memref<!tpu.dma_semaphore, #tpu.memory_space<semaphore_mem>>
      %dma_start3A = arith.constant 0 : i32
      %dma_start3A_27 = tpu.memref_slice %arg6[%mul3A_12, %dma_start3A] : memref<10000x128xf32, #tpu.memory_space<vmem_shared>> -> memref<625x128xf32, #tpu.memory_space<vmem_shared>>
      %dma_start3A_28 = arith.constant 0 : i32
      %dma_start3A_29 = tpu.memref_slice %arg4[%mul3A_10, %dma_start3A_28] : memref<10000x128xf32, #tpu.memory_space<hbm>> -> memref<625x128xf32, #tpu.memory_space<hbm>>
      tpu.enqueue_dma source(%dma_start3A_29 : memref<625x128xf32, #tpu.memory_space<hbm>>) target(%dma_start3A_27 : memref<625x128xf32, #tpu.memory_space<vmem_shared>>) target_semaphore(%run_scoped3A : memref<!tpu.dma_semaphore, #tpu.memory_space<semaphore_mem>>)
      %dma_wait3A = arith.constant 0 : i32
      %dma_wait3A_30 = tpu.memref_slice %arg6[%mul3A_12, %dma_wait3A] : memref<10000x128xf32, #tpu.memory_space<vmem_shared>> -> memref<625x128xf32, #tpu.memory_space<vmem_shared>>
      %dma_wait3A_31 = arith.constant 0 : i32
      %dma_wait3A_32 = tpu.memref_slice %arg4[%mul3A_10, %dma_wait3A_31] : memref<10000x128xf32, #tpu.memory_space<hbm>> -> memref<625x128xf32, #tpu.memory_space<hbm>>
      tpu.wait_dma2 semaphore(%run_scoped3A : memref<!tpu.dma_semaphore, #tpu.memory_space<semaphore_mem>>) src(%dma_wait3A_32 : memref<625x128xf32, #tpu.memory_space<hbm>>) dst(%dma_wait3A_30 : memref<625x128xf32, #tpu.memory_space<vmem_shared>>)
      tpu.yield
    }) : () -> ()
    %barrier3A = arith.constant 0 : index
    tpu.barrier barrier_id(%barrier3A)
    %while3A = arith.constant 0 : i32
    %while3A_13 = arith.constant 0 : i32
    %while3A_14 = arith.subi %add3A_8, %while3A_13 : i32
    %while3A_15 = arith.addi %while3A_13, %while3A_14 : i32
    %while3A_16 = arith.constant 1 : i32
    %while3A_17 = arith.divsi %while3A_14, %while3A_16 : i32
    %while3A_18 = arith.muli %while3A_17, %while3A_16 : i32
    %while3A_19 = arith.addi %while3A_13, %while3A_18 : i32
    %while3A_20 = arith.constant 1 : i32
    scf.for %while3A_27 = %while3A_13 to %while3A_19 step %while3A_20  : i32 {
      %add3A_28 = arith.addi %add3A_4, %while3A_27 : i32
      %mul3A_29 = arith.constant 320 : i32
      %mul3A_30 = arith.muli %add3A_28, %mul3A_29 : i32
      %run_scoped3A = arith.constant 0 : i32
      "tpu.region"() ({
        %run_scoped3A_36 = tpu.sem_alloc : memref<!tpu.dma_semaphore, #tpu.memory_space<semaphore_mem>>
        %dma_start3A_37 = arith.constant 0 : i32
        %dma_start3A_38 = tpu.memref_slice %arg3[%run_scoped3A, %dma_start3A_37] : memref<2x320000xi32, #tpu.memory_space<hbm>> -> memref<1x320000xi32, #tpu.memory_space<hbm>>
        %dma_start3A_39 = tpu.memref_squeeze %dma_start3A_38 : memref<1x320000xi32, #tpu.memory_space<hbm>> -> memref<320000xi32, #tpu.memory_space<hbm>>
        %dma_start3A_40 = tpu.memref_slice %dma_start3A_39[%mul3A_30] : memref<320000xi32, #tpu.memory_space<hbm>> -> memref<320xi32, #tpu.memory_space<hbm>>
        %dma_start3A_41 = arith.constant 0 : i32
        %dma_start3A_42 = tpu.memref_slice %arg3[%run_scoped3A, %dma_start3A_41] : memref<2x320000xi32, #tpu.memory_space<hbm>> -> memref<1x320000xi32, #tpu.memory_space<hbm>>
        %dma_start3A_43 = tpu.memref_squeeze %dma_start3A_42 : memref<1x320000xi32, #tpu.memory_space<hbm>> -> memref<320000xi32, #tpu.memory_space<hbm>>
        %dma_start3A_44 = tpu.memref_slice %dma_start3A_43[%mul3A_30] : memref<320000xi32, #tpu.memory_space<hbm>> -> memref<320xi32, #tpu.memory_space<hbm>>
        tpu.enqueue_dma source(%dma_start3A_44 : memref<320xi32, #tpu.memory_space<hbm>>) target(%arg8 : memref<320xi32, #tpu.memory_space<vmem>>) target_semaphore(%run_scoped3A_36 : memref<!tpu.dma_semaphore, #tpu.memory_space<semaphore_mem>>)
        %dma_wait3A_45 = arith.constant 0 : i32
        %dma_wait3A_46 = tpu.memref_slice %arg3[%run_scoped3A, %dma_wait3A_45] : memref<2x320000xi32, #tpu.memory_space<hbm>> -> memref<1x320000xi32, #tpu.memory_space<hbm>>
        %dma_wait3A_47 = tpu.memref_squeeze %dma_wait3A_46 : memref<1x320000xi32, #tpu.memory_space<hbm>> -> memref<320000xi32, #tpu.memory_space<hbm>>
        %dma_wait3A_48 = tpu.memref_slice %dma_wait3A_47[%mul3A_30] : memref<320000xi32, #tpu.memory_space<hbm>> -> memref<320xi32, #tpu.memory_space<hbm>>
        %dma_wait3A_49 = arith.constant 0 : i32
        %dma_wait3A_50 = tpu.memref_slice %arg3[%run_scoped3A, %dma_wait3A_49] : memref<2x320000xi32, #tpu.memory_space<hbm>> -> memref<1x320000xi32, #tpu.memory_space<hbm>>
        %dma_wait3A_51 = tpu.memref_squeeze %dma_wait3A_50 : memref<1x320000xi32, #tpu.memory_space<hbm>> -> memref<320000xi32, #tpu.memory_space<hbm>>
        %dma_wait3A_52 = tpu.memref_slice %dma_wait3A_51[%mul3A_30] : memref<320000xi32, #tpu.memory_space<hbm>> -> memref<320xi32, #tpu.memory_space<hbm>>
        tpu.wait_dma2 semaphore(%run_scoped3A_36 : memref<!tpu.dma_semaphore, #tpu.memory_space<semaphore_mem>>) src(%dma_wait3A_52 : memref<320xi32, #tpu.memory_space<hbm>>) dst(%arg8 : memref<320xi32, #tpu.memory_space<vmem>>)
        tpu.yield
      }) : () -> ()
      %run_scoped3A_31 = arith.constant 1 : i32
      "tpu.region"() ({
        %run_scoped3A_36 = tpu.sem_alloc : memref<!tpu.dma_semaphore, #tpu.memory_space<semaphore_mem>>
        %dma_start3A_37 = arith.constant 0 : i32
        %dma_start3A_38 = tpu.memref_slice %arg3[%run_scoped3A_31, %dma_start3A_37] : memref<2x320000xi32, #tpu.memory_space<hbm>> -> memref<1x320000xi32, #tpu.memory_space<hbm>>
        %dma_start3A_39 = tpu.memref_squeeze %dma_start3A_38 : memref<1x320000xi32, #tpu.memory_space<hbm>> -> memref<320000xi32, #tpu.memory_space<hbm>>
        %dma_start3A_40 = tpu.memref_slice %dma_start3A_39[%mul3A_30] : memref<320000xi32, #tpu.memory_space<hbm>> -> memref<320xi32, #tpu.memory_space<hbm>>
        %dma_start3A_41 = arith.constant 0 : i32
        %dma_start3A_42 = tpu.memref_slice %arg3[%run_scoped3A_31, %dma_start3A_41] : memref<2x320000xi32, #tpu.memory_space<hbm>> -> memref<1x320000xi32, #tpu.memory_space<hbm>>
        %dma_start3A_43 = tpu.memref_squeeze %dma_start3A_42 : memref<1x320000xi32, #tpu.memory_space<hbm>> -> memref<320000xi32, #tpu.memory_space<hbm>>
        %dma_start3A_44 = tpu.memref_slice %dma_start3A_43[%mul3A_30] : memref<320000xi32, #tpu.memory_space<hbm>> -> memref<320xi32, #tpu.memory_space<hbm>>
        tpu.enqueue_dma source(%dma_start3A_44 : memref<320xi32, #tpu.memory_space<hbm>>) target(%arg9 : memref<320xi32, #tpu.memory_space<vmem>>) target_semaphore(%run_scoped3A_36 : memref<!tpu.dma_semaphore, #tpu.memory_space<semaphore_mem>>)
        %dma_wait3A_45 = arith.constant 0 : i32
        %dma_wait3A_46 = tpu.memref_slice %arg3[%run_scoped3A_31, %dma_wait3A_45] : memref<2x320000xi32, #tpu.memory_space<hbm>> -> memref<1x320000xi32, #tpu.memory_space<hbm>>
        %dma_wait3A_47 = tpu.memref_squeeze %dma_wait3A_46 : memref<1x320000xi32, #tpu.memory_space<hbm>> -> memref<320000xi32, #tpu.memory_space<hbm>>
        %dma_wait3A_48 = tpu.memref_slice %dma_wait3A_47[%mul3A_30] : memref<320000xi32, #tpu.memory_space<hbm>> -> memref<320xi32, #tpu.memory_space<hbm>>
        %dma_wait3A_49 = arith.constant 0 : i32
        %dma_wait3A_50 = tpu.memref_slice %arg3[%run_scoped3A_31, %dma_wait3A_49] : memref<2x320000xi32, #tpu.memory_space<hbm>> -> memref<1x320000xi32, #tpu.memory_space<hbm>>
        %dma_wait3A_51 = tpu.memref_squeeze %dma_wait3A_50 : memref<1x320000xi32, #tpu.memory_space<hbm>> -> memref<320000xi32, #tpu.memory_space<hbm>>
        %dma_wait3A_52 = tpu.memref_slice %dma_wait3A_51[%mul3A_30] : memref<320000xi32, #tpu.memory_space<hbm>> -> memref<320xi32, #tpu.memory_space<hbm>>
        tpu.wait_dma2 semaphore(%run_scoped3A_36 : memref<!tpu.dma_semaphore, #tpu.memory_space<semaphore_mem>>) src(%dma_wait3A_52 : memref<320xi32, #tpu.memory_space<hbm>>) dst(%arg9 : memref<320xi32, #tpu.memory_space<vmem>>)
        tpu.yield
      }) : () -> ()
      %dma_start3A = arith.constant 0 : i32
      %dma_start3A_32 = arith.constant 0 : i32
      %dma_start3A_33 = tpu.memref_slice %arg2[%dma_start3A, %dma_start3A_32] : memref<10000x128xf32, #tpu.memory_space<hbm>> -> memref<10000x128xf32, #tpu.memory_space<hbm>>
      tpu.enqueue_indirect_dma source(%dma_start3A_33 : memref<10000x128xf32, #tpu.memory_space<hbm>>) target(%arg7 : memref<320x128xf32, #tpu.memory_space<vmem>>) offsets(%arg8 : memref<320xi32, #tpu.memory_space<vmem>>) semaphore(%arg10 : memref<!tpu.dma_semaphore, #tpu.memory_space<semaphore_mem>>)
      %dma_wait3A = arith.constant 0 : i32
      %dma_wait3A_34 = arith.constant 0 : i32
      %dma_wait3A_35 = tpu.memref_slice %arg2[%dma_wait3A, %dma_wait3A_34] : memref<10000x128xf32, #tpu.memory_space<hbm>> -> memref<10000x128xf32, #tpu.memory_space<hbm>>
      tpu.wait_indirect_dma semaphore(%arg10 : memref<!tpu.dma_semaphore, #tpu.memory_space<semaphore_mem>>) src(%dma_wait3A_35 : memref<10000x128xf32, #tpu.memory_space<hbm>>) dst(%arg7 : memref<320x128xf32, #tpu.memory_space<vmem>>)
      "tpu.region"() ({
        %run_scoped3A_36 = tpu.sem_alloc : memref<!tpu.dma_semaphore, #tpu.memory_space<semaphore_mem>>
        %dma_start3A_37 = arith.constant 0 : i32
        %dma_start3A_38 = arith.constant 0 : i32
        %dma_start3A_39 = tpu.memref_slice %arg6[%dma_start3A_37, %dma_start3A_38] : memref<10000x128xf32, #tpu.memory_space<vmem_shared>> -> memref<10000x128xf32, #tpu.memory_space<vmem_shared>>
        tpu.enqueue_indirect_dma source(%arg7 : memref<320x128xf32, #tpu.memory_space<vmem>>) target(%dma_start3A_39 : memref<10000x128xf32, #tpu.memory_space<vmem_shared>>) offsets(%arg9 : memref<320xi32, #tpu.memory_space<vmem>>) semaphore(%run_scoped3A_36 : memref<!tpu.dma_semaphore, #tpu.memory_space<semaphore_mem>>) {add = true}
        %dma_wait3A_40 = arith.constant 0 : i32
        %dma_wait3A_41 = arith.constant 0 : i32
        %dma_wait3A_42 = tpu.memref_slice %arg6[%dma_wait3A_40, %dma_wait3A_41] : memref<10000x128xf32, #tpu.memory_space<vmem_shared>> -> memref<10000x128xf32, #tpu.memory_space<vmem_shared>>
        tpu.wait_indirect_dma semaphore(%run_scoped3A_36 : memref<!tpu.dma_semaphore, #tpu.memory_space<semaphore_mem>>) src(%arg7 : memref<320x128xf32, #tpu.memory_space<vmem>>) dst(%dma_wait3A_42 : memref<10000x128xf32, #tpu.memory_space<vmem_shared>>)
        tpu.yield
      }) : () -> ()
    }
    %while3A_21 = arith.constant 1 : i32
    scf.for %while3A_27 = %while3A_19 to %while3A_15 step %while3A_21  : i32 {
      %add3A_28 = arith.addi %add3A_4, %while3A_27 : i32
      %mul3A_29 = arith.constant 320 : i32
      %mul3A_30 = arith.muli %add3A_28, %mul3A_29 : i32
      %run_scoped3A = arith.constant 0 : i32
      "tpu.region"() ({
        %run_scoped3A_36 = tpu.sem_alloc : memref<!tpu.dma_semaphore, #tpu.memory_space<semaphore_mem>>
        %dma_start3A_37 = arith.constant 0 : i32
        %dma_start3A_38 = tpu.memref_slice %arg3[%run_scoped3A, %dma_start3A_37] : memref<2x320000xi32, #tpu.memory_space<hbm>> -> memref<1x320000xi32, #tpu.memory_space<hbm>>
        %dma_start3A_39 = tpu.memref_squeeze %dma_start3A_38 : memref<1x320000xi32, #tpu.memory_space<hbm>> -> memref<320000xi32, #tpu.memory_space<hbm>>
        %dma_start3A_40 = tpu.memref_slice %dma_start3A_39[%mul3A_30] : memref<320000xi32, #tpu.memory_space<hbm>> -> memref<320xi32, #tpu.memory_space<hbm>>
        %dma_start3A_41 = arith.constant 0 : i32
        %dma_start3A_42 = tpu.memref_slice %arg3[%run_scoped3A, %dma_start3A_41] : memref<2x320000xi32, #tpu.memory_space<hbm>> -> memref<1x320000xi32, #tpu.memory_space<hbm>>
        %dma_start3A_43 = tpu.memref_squeeze %dma_start3A_42 : memref<1x320000xi32, #tpu.memory_space<hbm>> -> memref<320000xi32, #tpu.memory_space<hbm>>
        %dma_start3A_44 = tpu.memref_slice %dma_start3A_43[%mul3A_30] : memref<320000xi32, #tpu.memory_space<hbm>> -> memref<320xi32, #tpu.memory_space<hbm>>
        tpu.enqueue_dma source(%dma_start3A_44 : memref<320xi32, #tpu.memory_space<hbm>>) target(%arg8 : memref<320xi32, #tpu.memory_space<vmem>>) target_semaphore(%run_scoped3A_36 : memref<!tpu.dma_semaphore, #tpu.memory_space<semaphore_mem>>)
        %dma_wait3A_45 = arith.constant 0 : i32
        %dma_wait3A_46 = tpu.memref_slice %arg3[%run_scoped3A, %dma_wait3A_45] : memref<2x320000xi32, #tpu.memory_space<hbm>> -> memref<1x320000xi32, #tpu.memory_space<hbm>>
        %dma_wait3A_47 = tpu.memref_squeeze %dma_wait3A_46 : memref<1x320000xi32, #tpu.memory_space<hbm>> -> memref<320000xi32, #tpu.memory_space<hbm>>
        %dma_wait3A_48 = tpu.memref_slice %dma_wait3A_47[%mul3A_30] : memref<320000xi32, #tpu.memory_space<hbm>> -> memref<320xi32, #tpu.memory_space<hbm>>
        %dma_wait3A_49 = arith.constant 0 : i32
        %dma_wait3A_50 = tpu.memref_slice %arg3[%run_scoped3A, %dma_wait3A_49] : memref<2x320000xi32, #tpu.memory_space<hbm>> -> memref<1x320000xi32, #tpu.memory_space<hbm>>
        %dma_wait3A_51 = tpu.memref_squeeze %dma_wait3A_50 : memref<1x320000xi32, #tpu.memory_space<hbm>> -> memref<320000xi32, #tpu.memory_space<hbm>>
        %dma_wait3A_52 = tpu.memref_slice %dma_wait3A_51[%mul3A_30] : memref<320000xi32, #tpu.memory_space<hbm>> -> memref<320xi32, #tpu.memory_space<hbm>>
        tpu.wait_dma2 semaphore(%run_scoped3A_36 : memref<!tpu.dma_semaphore, #tpu.memory_space<semaphore_mem>>) src(%dma_wait3A_52 : memref<320xi32, #tpu.memory_space<hbm>>) dst(%arg8 : memref<320xi32, #tpu.memory_space<vmem>>)
        tpu.yield
      }) : () -> ()
      %run_scoped3A_31 = arith.constant 1 : i32
      "tpu.region"() ({
        %run_scoped3A_36 = tpu.sem_alloc : memref<!tpu.dma_semaphore, #tpu.memory_space<semaphore_mem>>
        %dma_start3A_37 = arith.constant 0 : i32
        %dma_start3A_38 = tpu.memref_slice %arg3[%run_scoped3A_31, %dma_start3A_37] : memref<2x320000xi32, #tpu.memory_space<hbm>> -> memref<1x320000xi32, #tpu.memory_space<hbm>>
        %dma_start3A_39 = tpu.memref_squeeze %dma_start3A_38 : memref<1x320000xi32, #tpu.memory_space<hbm>> -> memref<320000xi32, #tpu.memory_space<hbm>>
        %dma_start3A_40 = tpu.memref_slice %dma_start3A_39[%mul3A_30] : memref<320000xi32, #tpu.memory_space<hbm>> -> memref<320xi32, #tpu.memory_space<hbm>>
        %dma_start3A_41 = arith.constant 0 : i32
        %dma_start3A_42 = tpu.memref_slice %arg3[%run_scoped3A_31, %dma_start3A_41] : memref<2x320000xi32, #tpu.memory_space<hbm>> -> memref<1x320000xi32, #tpu.memory_space<hbm>>
        %dma_start3A_43 = tpu.memref_squeeze %dma_start3A_42 : memref<1x320000xi32, #tpu.memory_space<hbm>> -> memref<320000xi32, #tpu.memory_space<hbm>>
        %dma_start3A_44 = tpu.memref_slice %dma_start3A_43[%mul3A_30] : memref<320000xi32, #tpu.memory_space<hbm>> -> memref<320xi32, #tpu.memory_space<hbm>>
        tpu.enqueue_dma source(%dma_start3A_44 : memref<320xi32, #tpu.memory_space<hbm>>) target(%arg9 : memref<320xi32, #tpu.memory_space<vmem>>) target_semaphore(%run_scoped3A_36 : memref<!tpu.dma_semaphore, #tpu.memory_space<semaphore_mem>>)
        %dma_wait3A_45 = arith.constant 0 : i32
        %dma_wait3A_46 = tpu.memref_slice %arg3[%run_scoped3A_31, %dma_wait3A_45] : memref<2x320000xi32, #tpu.memory_space<hbm>> -> memref<1x320000xi32, #tpu.memory_space<hbm>>
        %dma_wait3A_47 = tpu.memref_squeeze %dma_wait3A_46 : memref<1x320000xi32, #tpu.memory_space<hbm>> -> memref<320000xi32, #tpu.memory_space<hbm>>
        %dma_wait3A_48 = tpu.memref_slice %dma_wait3A_47[%mul3A_30] : memref<320000xi32, #tpu.memory_space<hbm>> -> memref<320xi32, #tpu.memory_space<hbm>>
        %dma_wait3A_49 = arith.constant 0 : i32
        %dma_wait3A_50 = tpu.memref_slice %arg3[%run_scoped3A_31, %dma_wait3A_49] : memref<2x320000xi32, #tpu.memory_space<hbm>> -> memref<1x320000xi32, #tpu.memory_space<hbm>>
        %dma_wait3A_51 = tpu.memref_squeeze %dma_wait3A_50 : memref<1x320000xi32, #tpu.memory_space<hbm>> -> memref<320000xi32, #tpu.memory_space<hbm>>
        %dma_wait3A_52 = tpu.memref_slice %dma_wait3A_51[%mul3A_30] : memref<320000xi32, #tpu.memory_space<hbm>> -> memref<320xi32, #tpu.memory_space<hbm>>
        tpu.wait_dma2 semaphore(%run_scoped3A_36 : memref<!tpu.dma_semaphore, #tpu.memory_space<semaphore_mem>>) src(%dma_wait3A_52 : memref<320xi32, #tpu.memory_space<hbm>>) dst(%arg9 : memref<320xi32, #tpu.memory_space<vmem>>)
        tpu.yield
      }) : () -> ()
      %dma_start3A = arith.constant 0 : i32
      %dma_start3A_32 = arith.constant 0 : i32
      %dma_start3A_33 = tpu.memref_slice %arg2[%dma_start3A, %dma_start3A_32] : memref<10000x128xf32, #tpu.memory_space<hbm>> -> memref<10000x128xf32, #tpu.memory_space<hbm>>
      tpu.enqueue_indirect_dma source(%dma_start3A_33 : memref<10000x128xf32, #tpu.memory_space<hbm>>) target(%arg7 : memref<320x128xf32, #tpu.memory_space<vmem>>) offsets(%arg8 : memref<320xi32, #tpu.memory_space<vmem>>) semaphore(%arg10 : memref<!tpu.dma_semaphore, #tpu.memory_space<semaphore_mem>>)
      %dma_wait3A = arith.constant 0 : i32
      %dma_wait3A_34 = arith.constant 0 : i32
      %dma_wait3A_35 = tpu.memref_slice %arg2[%dma_wait3A, %dma_wait3A_34] : memref<10000x128xf32, #tpu.memory_space<hbm>> -> memref<10000x128xf32, #tpu.memory_space<hbm>>
      tpu.wait_indirect_dma semaphore(%arg10 : memref<!tpu.dma_semaphore, #tpu.memory_space<semaphore_mem>>) src(%dma_wait3A_35 : memref<10000x128xf32, #tpu.memory_space<hbm>>) dst(%arg7 : memref<320x128xf32, #tpu.memory_space<vmem>>)
      "tpu.region"() ({
        %run_scoped3A_36 = tpu.sem_alloc : memref<!tpu.dma_semaphore, #tpu.memory_space<semaphore_mem>>
        %dma_start3A_37 = arith.constant 0 : i32
        %dma_start3A_38 = arith.constant 0 : i32
        %dma_start3A_39 = tpu.memref_slice %arg6[%dma_start3A_37, %dma_start3A_38] : memref<10000x128xf32, #tpu.memory_space<vmem_shared>> -> memref<10000x128xf32, #tpu.memory_space<vmem_shared>>
        tpu.enqueue_indirect_dma source(%arg7 : memref<320x128xf32, #tpu.memory_space<vmem>>) target(%dma_start3A_39 : memref<10000x128xf32, #tpu.memory_space<vmem_shared>>) offsets(%arg9 : memref<320xi32, #tpu.memory_space<vmem>>) semaphore(%run_scoped3A_36 : memref<!tpu.dma_semaphore, #tpu.memory_space<semaphore_mem>>) {add = true}
        %dma_wait3A_40 = arith.constant 0 : i32
        %dma_wait3A_41 = arith.constant 0 : i32
        %dma_wait3A_42 = tpu.memref_slice %arg6[%dma_wait3A_40, %dma_wait3A_41] : memref<10000x128xf32, #tpu.memory_space<vmem_shared>> -> memref<10000x128xf32, #tpu.memory_space<vmem_shared>>
        tpu.wait_indirect_dma semaphore(%run_scoped3A_36 : memref<!tpu.dma_semaphore, #tpu.memory_space<semaphore_mem>>) src(%arg7 : memref<320x128xf32, #tpu.memory_space<vmem>>) dst(%dma_wait3A_42 : memref<10000x128xf32, #tpu.memory_space<vmem_shared>>)
        tpu.yield
      }) : () -> ()
    }
    %barrier3A_22 = arith.constant 0 : index
    tpu.barrier barrier_id(%barrier3A_22)
    %mul3A_23 = arith.constant 625 : i32
    %mul3A_24 = arith.muli %arg1, %mul3A_23 : i32
    %mul3A_25 = arith.constant 625 : i32
    %mul3A_26 = arith.muli %arg1, %mul3A_25 : i32
    "tpu.region"() ({
      %run_scoped3A = tpu.sem_alloc : memref<!tpu.dma_semaphore, #tpu.memory_space<semaphore_mem>>
      %dma_start3A = arith.constant 0 : i32
      %dma_start3A_27 = arith.constant 0 : i32
      %dma_start3A_28 = tpu.memref_slice %arg5[%arg0, %dma_start3A, %dma_start3A_27] : memref<2x10000x128xf32, #tpu.memory_space<hbm>> -> memref<1x10000x128xf32, #tpu.memory_space<hbm>>
      %dma_start3A_29 = tpu.memref_squeeze %dma_start3A_28 : memref<1x10000x128xf32, #tpu.memory_space<hbm>> -> memref<10000x128xf32, #tpu.memory_space<hbm>>
      %dma_start3A_30 = arith.constant 0 : i32
      %dma_start3A_31 = tpu.memref_slice %dma_start3A_29[%mul3A_26, %dma_start3A_30] : memref<10000x128xf32, #tpu.memory_space<hbm>> -> memref<625x128xf32, #tpu.memory_space<hbm>>
      %dma_start3A_32 = arith.constant 0 : i32
      %dma_start3A_33 = tpu.memref_slice %arg6[%mul3A_24, %dma_start3A_32] : memref<10000x128xf32, #tpu.memory_space<vmem_shared>> -> memref<625x128xf32, #tpu.memory_space<vmem_shared>>
      tpu.enqueue_dma source(%dma_start3A_33 : memref<625x128xf32, #tpu.memory_space<vmem_shared>>) target(%dma_start3A_31 : memref<625x128xf32, #tpu.memory_space<hbm>>) target_semaphore(%run_scoped3A : memref<!tpu.dma_semaphore, #tpu.memory_space<semaphore_mem>>)
      %dma_wait3A = arith.constant 0 : i32
      %dma_wait3A_34 = arith.constant 0 : i32
      %dma_wait3A_35 = tpu.memref_slice %arg5[%arg0, %dma_wait3A, %dma_wait3A_34] : memref<2x10000x128xf32, #tpu.memory_space<hbm>> -> memref<1x10000x128xf32, #tpu.memory_space<hbm>>
      %dma_wait3A_36 = tpu.memref_squeeze %dma_wait3A_35 : memref<1x10000x128xf32, #tpu.memory_space<hbm>> -> memref<10000x128xf32, #tpu.memory_space<hbm>>
      %dma_wait3A_37 = arith.constant 0 : i32
      %dma_wait3A_38 = tpu.memref_slice %dma_wait3A_36[%mul3A_26, %dma_wait3A_37] : memref<10000x128xf32, #tpu.memory_space<hbm>> -> memref<625x128xf32, #tpu.memory_space<hbm>>
      %dma_wait3A_39 = arith.constant 0 : i32
      %dma_wait3A_40 = tpu.memref_slice %arg6[%mul3A_24, %dma_wait3A_39] : memref<10000x128xf32, #tpu.memory_space<vmem_shared>> -> memref<625x128xf32, #tpu.memory_space<vmem_shared>>
      tpu.wait_dma2 semaphore(%run_scoped3A : memref<!tpu.dma_semaphore, #tpu.memory_space<semaphore_mem>>) src(%dma_wait3A_40 : memref<625x128xf32, #tpu.memory_space<vmem_shared>>) dst(%dma_wait3A_38 : memref<625x128xf32, #tpu.memory_space<hbm>>)
      tpu.yield
    }) : () -> ()
    return
  }
}

#map = affine_map<(d0, d1) -> (0, 0)>
#map1 = affine_map<(d0, d1) -> (0, 0, 0)>
module attributes {stable_mosaic.version = 14 : i64} {
  func.func @agg(%arg0: i32, %arg1: i32, %arg2: memref<10000x64xf32, #tpu.memory_space<hbm>>, %arg3: memref<2x320000xi32, #tpu.memory_space<hbm>>, %arg4: memref<10000x64xf32, #tpu.memory_space<hbm>>, %arg5: memref<2x10000x64xf32, #tpu.memory_space<hbm>>, %arg6: memref<10000x64xf32, #tpu.memory_space<vmem_shared>>, %arg7: memref<320x64xf32, #tpu.memory_space<vmem>>, %arg8: memref<320xi32, #tpu.memory_space<vmem>>, %arg9: memref<320xi32, #tpu.memory_space<vmem>>, %arg10: memref<!tpu.dma_semaphore, #tpu.memory_space<semaphore_mem>>) attributes {dimension_semantics = [#tpu.dimension_semantics<core_parallel>, #tpu.dimension_semantics<subcore_parallel>], iteration_bounds = array<i64: 2, 16>, scalar_prefetch = 0 : i64, scratch_operands = 5 : i64, tpu.core_type = #tpu.core_type<sc_vector_subcore>, window_params = [{transform_indices = #map}, {transform_indices = #map}, {transform_indices = #map}, {transform_indices = #map1}]} {
    %mul3A = arith.constant 500 : i32
    %mul3A_0 = arith.muli %arg0, %mul3A : i32
    %mul3A_1 = arith.constant 31 : i32
    %mul3A_2 = arith.muli %arg1, %mul3A_1 : i32
    %add3A = arith.addi %mul3A_0, %mul3A_2 : i32
    %min3A = arith.constant 4 : i32
    %min3A_3 = arith.minsi %arg1, %min3A : i32
    %add3A_4 = arith.addi %add3A, %min3A_3 : i32
    %lt3A = arith.constant 4 : i32
    %lt3A_5 = arith.cmpi slt, %arg1, %lt3A : i32
    %jit3A = arith.constant 1 : i32
    %jit3A_6 = arith.constant 0 : i32
    %select_n3A = arith.select %lt3A_5, %jit3A, %jit3A_6 : i32
    %add3A_7 = arith.constant 31 : i32
    %add3A_8 = arith.addi %add3A_7, %select_n3A : i32
    %mul3A_9 = arith.constant 625 : i32
    %mul3A_10 = arith.muli %arg1, %mul3A_9 : i32
    %mul3A_11 = arith.constant 625 : i32
    %mul3A_12 = arith.muli %arg1, %mul3A_11 : i32
    "tpu.region"() ({
      %run_scoped3A = tpu.sem_alloc : memref<!tpu.dma_semaphore, #tpu.memory_space<semaphore_mem>>
      %dma_start3A = arith.constant 0 : i32
      %dma_start3A_27 = tpu.memref_slice %arg6[%mul3A_12, %dma_start3A] : memref<10000x64xf32, #tpu.memory_space<vmem_shared>> -> memref<625x64xf32, #tpu.memory_space<vmem_shared>>
      %dma_start3A_28 = arith.constant 0 : i32
      %dma_start3A_29 = tpu.memref_slice %arg4[%mul3A_10, %dma_start3A_28] : memref<10000x64xf32, #tpu.memory_space<hbm>> -> memref<625x64xf32, #tpu.memory_space<hbm>>
      tpu.enqueue_dma source(%dma_start3A_29 : memref<625x64xf32, #tpu.memory_space<hbm>>) target(%dma_start3A_27 : memref<625x64xf32, #tpu.memory_space<vmem_shared>>) target_semaphore(%run_scoped3A : memref<!tpu.dma_semaphore, #tpu.memory_space<semaphore_mem>>)
      %dma_wait3A = arith.constant 0 : i32
      %dma_wait3A_30 = tpu.memref_slice %arg6[%mul3A_12, %dma_wait3A] : memref<10000x64xf32, #tpu.memory_space<vmem_shared>> -> memref<625x64xf32, #tpu.memory_space<vmem_shared>>
      %dma_wait3A_31 = arith.constant 0 : i32
      %dma_wait3A_32 = tpu.memref_slice %arg4[%mul3A_10, %dma_wait3A_31] : memref<10000x64xf32, #tpu.memory_space<hbm>> -> memref<625x64xf32, #tpu.memory_space<hbm>>
      tpu.wait_dma2 semaphore(%run_scoped3A : memref<!tpu.dma_semaphore, #tpu.memory_space<semaphore_mem>>) src(%dma_wait3A_32 : memref<625x64xf32, #tpu.memory_space<hbm>>) dst(%dma_wait3A_30 : memref<625x64xf32, #tpu.memory_space<vmem_shared>>)
      tpu.yield
    }) : () -> ()
    %barrier3A = arith.constant 0 : index
    tpu.barrier barrier_id(%barrier3A)
    %while3A = arith.constant 0 : i32
    %while3A_13 = arith.constant 0 : i32
    %while3A_14 = arith.subi %add3A_8, %while3A_13 : i32
    %while3A_15 = arith.addi %while3A_13, %while3A_14 : i32
    %while3A_16 = arith.constant 1 : i32
    %while3A_17 = arith.divsi %while3A_14, %while3A_16 : i32
    %while3A_18 = arith.muli %while3A_17, %while3A_16 : i32
    %while3A_19 = arith.addi %while3A_13, %while3A_18 : i32
    %while3A_20 = arith.constant 1 : i32
    scf.for %while3A_27 = %while3A_13 to %while3A_19 step %while3A_20  : i32 {
      %add3A_28 = arith.addi %add3A_4, %while3A_27 : i32
      %mul3A_29 = arith.constant 320 : i32
      %mul3A_30 = arith.muli %add3A_28, %mul3A_29 : i32
      %run_scoped3A = arith.constant 0 : i32
      "tpu.region"() ({
        %run_scoped3A_36 = tpu.sem_alloc : memref<!tpu.dma_semaphore, #tpu.memory_space<semaphore_mem>>
        %dma_start3A_37 = arith.constant 0 : i32
        %dma_start3A_38 = tpu.memref_slice %arg3[%run_scoped3A, %dma_start3A_37] : memref<2x320000xi32, #tpu.memory_space<hbm>> -> memref<1x320000xi32, #tpu.memory_space<hbm>>
        %dma_start3A_39 = tpu.memref_squeeze %dma_start3A_38 : memref<1x320000xi32, #tpu.memory_space<hbm>> -> memref<320000xi32, #tpu.memory_space<hbm>>
        %dma_start3A_40 = tpu.memref_slice %dma_start3A_39[%mul3A_30] : memref<320000xi32, #tpu.memory_space<hbm>> -> memref<320xi32, #tpu.memory_space<hbm>>
        %dma_start3A_41 = arith.constant 0 : i32
        %dma_start3A_42 = tpu.memref_slice %arg3[%run_scoped3A, %dma_start3A_41] : memref<2x320000xi32, #tpu.memory_space<hbm>> -> memref<1x320000xi32, #tpu.memory_space<hbm>>
        %dma_start3A_43 = tpu.memref_squeeze %dma_start3A_42 : memref<1x320000xi32, #tpu.memory_space<hbm>> -> memref<320000xi32, #tpu.memory_space<hbm>>
        %dma_start3A_44 = tpu.memref_slice %dma_start3A_43[%mul3A_30] : memref<320000xi32, #tpu.memory_space<hbm>> -> memref<320xi32, #tpu.memory_space<hbm>>
        tpu.enqueue_dma source(%dma_start3A_44 : memref<320xi32, #tpu.memory_space<hbm>>) target(%arg8 : memref<320xi32, #tpu.memory_space<vmem>>) target_semaphore(%run_scoped3A_36 : memref<!tpu.dma_semaphore, #tpu.memory_space<semaphore_mem>>)
        %dma_wait3A_45 = arith.constant 0 : i32
        %dma_wait3A_46 = tpu.memref_slice %arg3[%run_scoped3A, %dma_wait3A_45] : memref<2x320000xi32, #tpu.memory_space<hbm>> -> memref<1x320000xi32, #tpu.memory_space<hbm>>
        %dma_wait3A_47 = tpu.memref_squeeze %dma_wait3A_46 : memref<1x320000xi32, #tpu.memory_space<hbm>> -> memref<320000xi32, #tpu.memory_space<hbm>>
        %dma_wait3A_48 = tpu.memref_slice %dma_wait3A_47[%mul3A_30] : memref<320000xi32, #tpu.memory_space<hbm>> -> memref<320xi32, #tpu.memory_space<hbm>>
        %dma_wait3A_49 = arith.constant 0 : i32
        %dma_wait3A_50 = tpu.memref_slice %arg3[%run_scoped3A, %dma_wait3A_49] : memref<2x320000xi32, #tpu.memory_space<hbm>> -> memref<1x320000xi32, #tpu.memory_space<hbm>>
        %dma_wait3A_51 = tpu.memref_squeeze %dma_wait3A_50 : memref<1x320000xi32, #tpu.memory_space<hbm>> -> memref<320000xi32, #tpu.memory_space<hbm>>
        %dma_wait3A_52 = tpu.memref_slice %dma_wait3A_51[%mul3A_30] : memref<320000xi32, #tpu.memory_space<hbm>> -> memref<320xi32, #tpu.memory_space<hbm>>
        tpu.wait_dma2 semaphore(%run_scoped3A_36 : memref<!tpu.dma_semaphore, #tpu.memory_space<semaphore_mem>>) src(%dma_wait3A_52 : memref<320xi32, #tpu.memory_space<hbm>>) dst(%arg8 : memref<320xi32, #tpu.memory_space<vmem>>)
        tpu.yield
      }) : () -> ()
      %run_scoped3A_31 = arith.constant 1 : i32
      "tpu.region"() ({
        %run_scoped3A_36 = tpu.sem_alloc : memref<!tpu.dma_semaphore, #tpu.memory_space<semaphore_mem>>
        %dma_start3A_37 = arith.constant 0 : i32
        %dma_start3A_38 = tpu.memref_slice %arg3[%run_scoped3A_31, %dma_start3A_37] : memref<2x320000xi32, #tpu.memory_space<hbm>> -> memref<1x320000xi32, #tpu.memory_space<hbm>>
        %dma_start3A_39 = tpu.memref_squeeze %dma_start3A_38 : memref<1x320000xi32, #tpu.memory_space<hbm>> -> memref<320000xi32, #tpu.memory_space<hbm>>
        %dma_start3A_40 = tpu.memref_slice %dma_start3A_39[%mul3A_30] : memref<320000xi32, #tpu.memory_space<hbm>> -> memref<320xi32, #tpu.memory_space<hbm>>
        %dma_start3A_41 = arith.constant 0 : i32
        %dma_start3A_42 = tpu.memref_slice %arg3[%run_scoped3A_31, %dma_start3A_41] : memref<2x320000xi32, #tpu.memory_space<hbm>> -> memref<1x320000xi32, #tpu.memory_space<hbm>>
        %dma_start3A_43 = tpu.memref_squeeze %dma_start3A_42 : memref<1x320000xi32, #tpu.memory_space<hbm>> -> memref<320000xi32, #tpu.memory_space<hbm>>
        %dma_start3A_44 = tpu.memref_slice %dma_start3A_43[%mul3A_30] : memref<320000xi32, #tpu.memory_space<hbm>> -> memref<320xi32, #tpu.memory_space<hbm>>
        tpu.enqueue_dma source(%dma_start3A_44 : memref<320xi32, #tpu.memory_space<hbm>>) target(%arg9 : memref<320xi32, #tpu.memory_space<vmem>>) target_semaphore(%run_scoped3A_36 : memref<!tpu.dma_semaphore, #tpu.memory_space<semaphore_mem>>)
        %dma_wait3A_45 = arith.constant 0 : i32
        %dma_wait3A_46 = tpu.memref_slice %arg3[%run_scoped3A_31, %dma_wait3A_45] : memref<2x320000xi32, #tpu.memory_space<hbm>> -> memref<1x320000xi32, #tpu.memory_space<hbm>>
        %dma_wait3A_47 = tpu.memref_squeeze %dma_wait3A_46 : memref<1x320000xi32, #tpu.memory_space<hbm>> -> memref<320000xi32, #tpu.memory_space<hbm>>
        %dma_wait3A_48 = tpu.memref_slice %dma_wait3A_47[%mul3A_30] : memref<320000xi32, #tpu.memory_space<hbm>> -> memref<320xi32, #tpu.memory_space<hbm>>
        %dma_wait3A_49 = arith.constant 0 : i32
        %dma_wait3A_50 = tpu.memref_slice %arg3[%run_scoped3A_31, %dma_wait3A_49] : memref<2x320000xi32, #tpu.memory_space<hbm>> -> memref<1x320000xi32, #tpu.memory_space<hbm>>
        %dma_wait3A_51 = tpu.memref_squeeze %dma_wait3A_50 : memref<1x320000xi32, #tpu.memory_space<hbm>> -> memref<320000xi32, #tpu.memory_space<hbm>>
        %dma_wait3A_52 = tpu.memref_slice %dma_wait3A_51[%mul3A_30] : memref<320000xi32, #tpu.memory_space<hbm>> -> memref<320xi32, #tpu.memory_space<hbm>>
        tpu.wait_dma2 semaphore(%run_scoped3A_36 : memref<!tpu.dma_semaphore, #tpu.memory_space<semaphore_mem>>) src(%dma_wait3A_52 : memref<320xi32, #tpu.memory_space<hbm>>) dst(%arg9 : memref<320xi32, #tpu.memory_space<vmem>>)
        tpu.yield
      }) : () -> ()
      %dma_start3A = arith.constant 0 : i32
      %dma_start3A_32 = arith.constant 0 : i32
      %dma_start3A_33 = tpu.memref_slice %arg2[%dma_start3A, %dma_start3A_32] : memref<10000x64xf32, #tpu.memory_space<hbm>> -> memref<10000x64xf32, #tpu.memory_space<hbm>>
      tpu.enqueue_indirect_dma source(%dma_start3A_33 : memref<10000x64xf32, #tpu.memory_space<hbm>>) target(%arg7 : memref<320x64xf32, #tpu.memory_space<vmem>>) offsets(%arg8 : memref<320xi32, #tpu.memory_space<vmem>>) semaphore(%arg10 : memref<!tpu.dma_semaphore, #tpu.memory_space<semaphore_mem>>)
      %dma_wait3A = arith.constant 0 : i32
      %dma_wait3A_34 = arith.constant 0 : i32
      %dma_wait3A_35 = tpu.memref_slice %arg2[%dma_wait3A, %dma_wait3A_34] : memref<10000x64xf32, #tpu.memory_space<hbm>> -> memref<10000x64xf32, #tpu.memory_space<hbm>>
      tpu.wait_indirect_dma semaphore(%arg10 : memref<!tpu.dma_semaphore, #tpu.memory_space<semaphore_mem>>) src(%dma_wait3A_35 : memref<10000x64xf32, #tpu.memory_space<hbm>>) dst(%arg7 : memref<320x64xf32, #tpu.memory_space<vmem>>)
      "tpu.region"() ({
        %run_scoped3A_36 = tpu.sem_alloc : memref<!tpu.dma_semaphore, #tpu.memory_space<semaphore_mem>>
        %dma_start3A_37 = arith.constant 0 : i32
        %dma_start3A_38 = arith.constant 0 : i32
        %dma_start3A_39 = tpu.memref_slice %arg6[%dma_start3A_37, %dma_start3A_38] : memref<10000x64xf32, #tpu.memory_space<vmem_shared>> -> memref<10000x64xf32, #tpu.memory_space<vmem_shared>>
        tpu.enqueue_indirect_dma source(%arg7 : memref<320x64xf32, #tpu.memory_space<vmem>>) target(%dma_start3A_39 : memref<10000x64xf32, #tpu.memory_space<vmem_shared>>) offsets(%arg9 : memref<320xi32, #tpu.memory_space<vmem>>) semaphore(%run_scoped3A_36 : memref<!tpu.dma_semaphore, #tpu.memory_space<semaphore_mem>>) {add = true}
        %dma_wait3A_40 = arith.constant 0 : i32
        %dma_wait3A_41 = arith.constant 0 : i32
        %dma_wait3A_42 = tpu.memref_slice %arg6[%dma_wait3A_40, %dma_wait3A_41] : memref<10000x64xf32, #tpu.memory_space<vmem_shared>> -> memref<10000x64xf32, #tpu.memory_space<vmem_shared>>
        tpu.wait_indirect_dma semaphore(%run_scoped3A_36 : memref<!tpu.dma_semaphore, #tpu.memory_space<semaphore_mem>>) src(%arg7 : memref<320x64xf32, #tpu.memory_space<vmem>>) dst(%dma_wait3A_42 : memref<10000x64xf32, #tpu.memory_space<vmem_shared>>)
        tpu.yield
      }) : () -> ()
    }
    %while3A_21 = arith.constant 1 : i32
    scf.for %while3A_27 = %while3A_19 to %while3A_15 step %while3A_21  : i32 {
      %add3A_28 = arith.addi %add3A_4, %while3A_27 : i32
      %mul3A_29 = arith.constant 320 : i32
      %mul3A_30 = arith.muli %add3A_28, %mul3A_29 : i32
      %run_scoped3A = arith.constant 0 : i32
      "tpu.region"() ({
        %run_scoped3A_36 = tpu.sem_alloc : memref<!tpu.dma_semaphore, #tpu.memory_space<semaphore_mem>>
        %dma_start3A_37 = arith.constant 0 : i32
        %dma_start3A_38 = tpu.memref_slice %arg3[%run_scoped3A, %dma_start3A_37] : memref<2x320000xi32, #tpu.memory_space<hbm>> -> memref<1x320000xi32, #tpu.memory_space<hbm>>
        %dma_start3A_39 = tpu.memref_squeeze %dma_start3A_38 : memref<1x320000xi32, #tpu.memory_space<hbm>> -> memref<320000xi32, #tpu.memory_space<hbm>>
        %dma_start3A_40 = tpu.memref_slice %dma_start3A_39[%mul3A_30] : memref<320000xi32, #tpu.memory_space<hbm>> -> memref<320xi32, #tpu.memory_space<hbm>>
        %dma_start3A_41 = arith.constant 0 : i32
        %dma_start3A_42 = tpu.memref_slice %arg3[%run_scoped3A, %dma_start3A_41] : memref<2x320000xi32, #tpu.memory_space<hbm>> -> memref<1x320000xi32, #tpu.memory_space<hbm>>
        %dma_start3A_43 = tpu.memref_squeeze %dma_start3A_42 : memref<1x320000xi32, #tpu.memory_space<hbm>> -> memref<320000xi32, #tpu.memory_space<hbm>>
        %dma_start3A_44 = tpu.memref_slice %dma_start3A_43[%mul3A_30] : memref<320000xi32, #tpu.memory_space<hbm>> -> memref<320xi32, #tpu.memory_space<hbm>>
        tpu.enqueue_dma source(%dma_start3A_44 : memref<320xi32, #tpu.memory_space<hbm>>) target(%arg8 : memref<320xi32, #tpu.memory_space<vmem>>) target_semaphore(%run_scoped3A_36 : memref<!tpu.dma_semaphore, #tpu.memory_space<semaphore_mem>>)
        %dma_wait3A_45 = arith.constant 0 : i32
        %dma_wait3A_46 = tpu.memref_slice %arg3[%run_scoped3A, %dma_wait3A_45] : memref<2x320000xi32, #tpu.memory_space<hbm>> -> memref<1x320000xi32, #tpu.memory_space<hbm>>
        %dma_wait3A_47 = tpu.memref_squeeze %dma_wait3A_46 : memref<1x320000xi32, #tpu.memory_space<hbm>> -> memref<320000xi32, #tpu.memory_space<hbm>>
        %dma_wait3A_48 = tpu.memref_slice %dma_wait3A_47[%mul3A_30] : memref<320000xi32, #tpu.memory_space<hbm>> -> memref<320xi32, #tpu.memory_space<hbm>>
        %dma_wait3A_49 = arith.constant 0 : i32
        %dma_wait3A_50 = tpu.memref_slice %arg3[%run_scoped3A, %dma_wait3A_49] : memref<2x320000xi32, #tpu.memory_space<hbm>> -> memref<1x320000xi32, #tpu.memory_space<hbm>>
        %dma_wait3A_51 = tpu.memref_squeeze %dma_wait3A_50 : memref<1x320000xi32, #tpu.memory_space<hbm>> -> memref<320000xi32, #tpu.memory_space<hbm>>
        %dma_wait3A_52 = tpu.memref_slice %dma_wait3A_51[%mul3A_30] : memref<320000xi32, #tpu.memory_space<hbm>> -> memref<320xi32, #tpu.memory_space<hbm>>
        tpu.wait_dma2 semaphore(%run_scoped3A_36 : memref<!tpu.dma_semaphore, #tpu.memory_space<semaphore_mem>>) src(%dma_wait3A_52 : memref<320xi32, #tpu.memory_space<hbm>>) dst(%arg8 : memref<320xi32, #tpu.memory_space<vmem>>)
        tpu.yield
      }) : () -> ()
      %run_scoped3A_31 = arith.constant 1 : i32
      "tpu.region"() ({
        %run_scoped3A_36 = tpu.sem_alloc : memref<!tpu.dma_semaphore, #tpu.memory_space<semaphore_mem>>
        %dma_start3A_37 = arith.constant 0 : i32
        %dma_start3A_38 = tpu.memref_slice %arg3[%run_scoped3A_31, %dma_start3A_37] : memref<2x320000xi32, #tpu.memory_space<hbm>> -> memref<1x320000xi32, #tpu.memory_space<hbm>>
        %dma_start3A_39 = tpu.memref_squeeze %dma_start3A_38 : memref<1x320000xi32, #tpu.memory_space<hbm>> -> memref<320000xi32, #tpu.memory_space<hbm>>
        %dma_start3A_40 = tpu.memref_slice %dma_start3A_39[%mul3A_30] : memref<320000xi32, #tpu.memory_space<hbm>> -> memref<320xi32, #tpu.memory_space<hbm>>
        %dma_start3A_41 = arith.constant 0 : i32
        %dma_start3A_42 = tpu.memref_slice %arg3[%run_scoped3A_31, %dma_start3A_41] : memref<2x320000xi32, #tpu.memory_space<hbm>> -> memref<1x320000xi32, #tpu.memory_space<hbm>>
        %dma_start3A_43 = tpu.memref_squeeze %dma_start3A_42 : memref<1x320000xi32, #tpu.memory_space<hbm>> -> memref<320000xi32, #tpu.memory_space<hbm>>
        %dma_start3A_44 = tpu.memref_slice %dma_start3A_43[%mul3A_30] : memref<320000xi32, #tpu.memory_space<hbm>> -> memref<320xi32, #tpu.memory_space<hbm>>
        tpu.enqueue_dma source(%dma_start3A_44 : memref<320xi32, #tpu.memory_space<hbm>>) target(%arg9 : memref<320xi32, #tpu.memory_space<vmem>>) target_semaphore(%run_scoped3A_36 : memref<!tpu.dma_semaphore, #tpu.memory_space<semaphore_mem>>)
        %dma_wait3A_45 = arith.constant 0 : i32
        %dma_wait3A_46 = tpu.memref_slice %arg3[%run_scoped3A_31, %dma_wait3A_45] : memref<2x320000xi32, #tpu.memory_space<hbm>> -> memref<1x320000xi32, #tpu.memory_space<hbm>>
        %dma_wait3A_47 = tpu.memref_squeeze %dma_wait3A_46 : memref<1x320000xi32, #tpu.memory_space<hbm>> -> memref<320000xi32, #tpu.memory_space<hbm>>
        %dma_wait3A_48 = tpu.memref_slice %dma_wait3A_47[%mul3A_30] : memref<320000xi32, #tpu.memory_space<hbm>> -> memref<320xi32, #tpu.memory_space<hbm>>
        %dma_wait3A_49 = arith.constant 0 : i32
        %dma_wait3A_50 = tpu.memref_slice %arg3[%run_scoped3A_31, %dma_wait3A_49] : memref<2x320000xi32, #tpu.memory_space<hbm>> -> memref<1x320000xi32, #tpu.memory_space<hbm>>
        %dma_wait3A_51 = tpu.memref_squeeze %dma_wait3A_50 : memref<1x320000xi32, #tpu.memory_space<hbm>> -> memref<320000xi32, #tpu.memory_space<hbm>>
        %dma_wait3A_52 = tpu.memref_slice %dma_wait3A_51[%mul3A_30] : memref<320000xi32, #tpu.memory_space<hbm>> -> memref<320xi32, #tpu.memory_space<hbm>>
        tpu.wait_dma2 semaphore(%run_scoped3A_36 : memref<!tpu.dma_semaphore, #tpu.memory_space<semaphore_mem>>) src(%dma_wait3A_52 : memref<320xi32, #tpu.memory_space<hbm>>) dst(%arg9 : memref<320xi32, #tpu.memory_space<vmem>>)
        tpu.yield
      }) : () -> ()
      %dma_start3A = arith.constant 0 : i32
      %dma_start3A_32 = arith.constant 0 : i32
      %dma_start3A_33 = tpu.memref_slice %arg2[%dma_start3A, %dma_start3A_32] : memref<10000x64xf32, #tpu.memory_space<hbm>> -> memref<10000x64xf32, #tpu.memory_space<hbm>>
      tpu.enqueue_indirect_dma source(%dma_start3A_33 : memref<10000x64xf32, #tpu.memory_space<hbm>>) target(%arg7 : memref<320x64xf32, #tpu.memory_space<vmem>>) offsets(%arg8 : memref<320xi32, #tpu.memory_space<vmem>>) semaphore(%arg10 : memref<!tpu.dma_semaphore, #tpu.memory_space<semaphore_mem>>)
      %dma_wait3A = arith.constant 0 : i32
      %dma_wait3A_34 = arith.constant 0 : i32
      %dma_wait3A_35 = tpu.memref_slice %arg2[%dma_wait3A, %dma_wait3A_34] : memref<10000x64xf32, #tpu.memory_space<hbm>> -> memref<10000x64xf32, #tpu.memory_space<hbm>>
      tpu.wait_indirect_dma semaphore(%arg10 : memref<!tpu.dma_semaphore, #tpu.memory_space<semaphore_mem>>) src(%dma_wait3A_35 : memref<10000x64xf32, #tpu.memory_space<hbm>>) dst(%arg7 : memref<320x64xf32, #tpu.memory_space<vmem>>)
      "tpu.region"() ({
        %run_scoped3A_36 = tpu.sem_alloc : memref<!tpu.dma_semaphore, #tpu.memory_space<semaphore_mem>>
        %dma_start3A_37 = arith.constant 0 : i32
        %dma_start3A_38 = arith.constant 0 : i32
        %dma_start3A_39 = tpu.memref_slice %arg6[%dma_start3A_37, %dma_start3A_38] : memref<10000x64xf32, #tpu.memory_space<vmem_shared>> -> memref<10000x64xf32, #tpu.memory_space<vmem_shared>>
        tpu.enqueue_indirect_dma source(%arg7 : memref<320x64xf32, #tpu.memory_space<vmem>>) target(%dma_start3A_39 : memref<10000x64xf32, #tpu.memory_space<vmem_shared>>) offsets(%arg9 : memref<320xi32, #tpu.memory_space<vmem>>) semaphore(%run_scoped3A_36 : memref<!tpu.dma_semaphore, #tpu.memory_space<semaphore_mem>>) {add = true}
        %dma_wait3A_40 = arith.constant 0 : i32
        %dma_wait3A_41 = arith.constant 0 : i32
        %dma_wait3A_42 = tpu.memref_slice %arg6[%dma_wait3A_40, %dma_wait3A_41] : memref<10000x64xf32, #tpu.memory_space<vmem_shared>> -> memref<10000x64xf32, #tpu.memory_space<vmem_shared>>
        tpu.wait_indirect_dma semaphore(%run_scoped3A_36 : memref<!tpu.dma_semaphore, #tpu.memory_space<semaphore_mem>>) src(%arg7 : memref<320x64xf32, #tpu.memory_space<vmem>>) dst(%dma_wait3A_42 : memref<10000x64xf32, #tpu.memory_space<vmem_shared>>)
        tpu.yield
      }) : () -> ()
    }
    %barrier3A_22 = arith.constant 0 : index
    tpu.barrier barrier_id(%barrier3A_22)
    %mul3A_23 = arith.constant 625 : i32
    %mul3A_24 = arith.muli %arg1, %mul3A_23 : i32
    %mul3A_25 = arith.constant 625 : i32
    %mul3A_26 = arith.muli %arg1, %mul3A_25 : i32
    "tpu.region"() ({
      %run_scoped3A = tpu.sem_alloc : memref<!tpu.dma_semaphore, #tpu.memory_space<semaphore_mem>>
      %dma_start3A = arith.constant 0 : i32
      %dma_start3A_27 = arith.constant 0 : i32
      %dma_start3A_28 = tpu.memref_slice %arg5[%arg0, %dma_start3A, %dma_start3A_27] : memref<2x10000x64xf32, #tpu.memory_space<hbm>> -> memref<1x10000x64xf32, #tpu.memory_space<hbm>>
      %dma_start3A_29 = tpu.memref_squeeze %dma_start3A_28 : memref<1x10000x64xf32, #tpu.memory_space<hbm>> -> memref<10000x64xf32, #tpu.memory_space<hbm>>
      %dma_start3A_30 = arith.constant 0 : i32
      %dma_start3A_31 = tpu.memref_slice %dma_start3A_29[%mul3A_26, %dma_start3A_30] : memref<10000x64xf32, #tpu.memory_space<hbm>> -> memref<625x64xf32, #tpu.memory_space<hbm>>
      %dma_start3A_32 = arith.constant 0 : i32
      %dma_start3A_33 = tpu.memref_slice %arg6[%mul3A_24, %dma_start3A_32] : memref<10000x64xf32, #tpu.memory_space<vmem_shared>> -> memref<625x64xf32, #tpu.memory_space<vmem_shared>>
      tpu.enqueue_dma source(%dma_start3A_33 : memref<625x64xf32, #tpu.memory_space<vmem_shared>>) target(%dma_start3A_31 : memref<625x64xf32, #tpu.memory_space<hbm>>) target_semaphore(%run_scoped3A : memref<!tpu.dma_semaphore, #tpu.memory_space<semaphore_mem>>)
      %dma_wait3A = arith.constant 0 : i32
      %dma_wait3A_34 = arith.constant 0 : i32
      %dma_wait3A_35 = tpu.memref_slice %arg5[%arg0, %dma_wait3A, %dma_wait3A_34] : memref<2x10000x64xf32, #tpu.memory_space<hbm>> -> memref<1x10000x64xf32, #tpu.memory_space<hbm>>
      %dma_wait3A_36 = tpu.memref_squeeze %dma_wait3A_35 : memref<1x10000x64xf32, #tpu.memory_space<hbm>> -> memref<10000x64xf32, #tpu.memory_space<hbm>>
      %dma_wait3A_37 = arith.constant 0 : i32
      %dma_wait3A_38 = tpu.memref_slice %dma_wait3A_36[%mul3A_26, %dma_wait3A_37] : memref<10000x64xf32, #tpu.memory_space<hbm>> -> memref<625x64xf32, #tpu.memory_space<hbm>>
      %dma_wait3A_39 = arith.constant 0 : i32
      %dma_wait3A_40 = tpu.memref_slice %arg6[%mul3A_24, %dma_wait3A_39] : memref<10000x64xf32, #tpu.memory_space<vmem_shared>> -> memref<625x64xf32, #tpu.memory_space<vmem_shared>>
      tpu.wait_dma2 semaphore(%run_scoped3A : memref<!tpu.dma_semaphore, #tpu.memory_space<semaphore_mem>>) src(%dma_wait3A_40 : memref<625x64xf32, #tpu.memory_space<vmem_shared>>) dst(%dma_wait3A_38 : memref<625x64xf32, #tpu.memory_space<hbm>>)
      tpu.yield
    }) : () -> ()
    return
  }
}

module attributes {stable_mosaic.version = 14 : i64} {
  func.func @_tc1_body(%arg0: i32, %arg1: memref<1x2x16x1000xf32, #tpu.memory_space<vmem>>, %arg2: memref<1000x128xf32, #tpu.memory_space<vmem>>, %arg3: memref<128x128xf32, #tpu.memory_space<vmem>>, %arg4: memref<1000x128xf32, #tpu.memory_space<vmem>>) attributes {dimension_semantics = [#tpu.dimension_semantics<arbitrary>], iteration_bounds = array<i64: 10>, scalar_prefetch = 0 : i64, scratch_operands = 0 : i64, tpu.core_type = #tpu.core_type<tc>, window_params = [{transform_indices = @transform_0, window_bounds = array<i64: 1, 2, 16, 1000>}, {transform_indices = @transform_1, window_bounds = array<i64: 1000, 128>}, {pipeline_mode = #tpu.pipeline_mode<synchronous>, transform_indices = @transform_2, window_bounds = array<i64: 128, 128>}, {transform_indices = @transform_3, window_bounds = array<i64: 1000, 128>}]} {
    %get3A = arith.constant 0 : index
    %get3A_0 = arith.constant 0 : index
    %get3A_1 = arith.constant 0 : index
    %get3A_2 = arith.constant 0 : index
    %get3A_3 = vector.load %arg1[%get3A, %get3A_0, %get3A_1, %get3A_2] : memref<1x2x16x1000xf32, #tpu.memory_space<vmem>>, vector<1x1x16x1000xf32>
    %get3A_4 = vector.shape_cast %get3A_3 : vector<1x1x16x1000xf32> to vector<16x1000xf32>
    %reduce_sum3A = arith.constant dense<0.000000e+00> : vector<1000xf32>
    %reduce_sum3A_5 = vector.multi_reduction <add>, %get3A_4, %reduce_sum3A [0] : vector<16x1000xf32> to vector<1000xf32>
    %max3A = arith.constant 1.000000e+00 : f32
    %max3A_6 = vector.broadcast %max3A : f32 to vector<1000xf32>
    %max3A_7 = arith.maximumf %reduce_sum3A_5, %max3A_6 : vector<1000xf32>
    %rsqrt3A = math.rsqrt %max3A_7 : vector<1000xf32>
    %get3A_8 = arith.constant 0 : index
    %get3A_9 = arith.constant 0 : index
    %get3A_10 = vector.load %arg2[%get3A_8, %get3A_9] : memref<1000x128xf32, #tpu.memory_space<vmem>>, vector<1000x128xf32>
    %broadcast_in_dim3A = vector.shape_cast %rsqrt3A : vector<1000xf32> to vector<1000x1xf32>
    %mul3A = vector.broadcast %broadcast_in_dim3A : vector<1000x1xf32> to vector<1000x128xf32>
    %mul3A_11 = arith.mulf %get3A_10, %mul3A : vector<1000x128xf32>
    %get3A_12 = arith.constant 0 : index
    %get3A_13 = arith.constant 0 : index
    %get3A_14 = vector.load %arg3[%get3A_12, %get3A_13] : memref<128x128xf32, #tpu.memory_space<vmem>>, vector<128x128xf32>
    %dot_general3A = arith.constant dense<0.000000e+00> : vector<1000x128xf32>
    %dot_general3A_15 = tpu.matmul %mul3A_11, %get3A_14, %dot_general3A {dimension_numbers = #tpu.dot_dimension_numbers<[1], [0], [0], [1], [0, 0, 1, 1], [], []>, transpose_lhs_hint = false} : vector<1000x128xf32>, vector<128x128xf32>, vector<1000x128xf32> -> vector<1000x128xf32>
    %swap3A = arith.constant 0 : index
    %swap3A_16 = arith.constant 0 : index
    %swap3A_17 = vector.load %arg4[%swap3A, %swap3A_16] : memref<1000x128xf32, #tpu.memory_space<vmem>>, vector<1000x128xf32>
    tpu.vector_store %arg4[%swap3A, %swap3A_16], %dot_general3A_15 {strides = array<i32>} : memref<1000x128xf32, #tpu.memory_space<vmem>>, vector<1000x128xf32>,
    return
  }
  func.func @transform_0(%arg0: i32) -> (i32, i32, i32, i32) {
    %c0_i32 = arith.constant 0 : i32
    %c0_i32_0 = arith.constant 0 : i32
    %c0_i32_1 = arith.constant 0 : i32
    %c0_i32_2 = arith.constant 0 : i32
    return %arg0, %c0_i32, %c0_i32_0, %c0_i32_1 : i32, i32, i32, i32
  }
  func.func @transform_1(%arg0: i32) -> (i32, i32) {
    %c0_i32 = arith.constant 0 : i32
    %c0_i32_0 = arith.constant 0 : i32
    return %arg0, %c0_i32 : i32, i32
  }
  func.func @transform_2(%arg0: i32) -> (i32, i32) {
    %c0_i32 = arith.constant 0 : i32
    %c0_i32_0 = arith.constant 0 : i32
    %c0_i32_1 = arith.constant 0 : i32
    return %c0_i32, %c0_i32_0 : i32, i32
  }
  func.func @transform_3(%arg0: i32) -> (i32, i32) {
    %c0_i32 = arith.constant 0 : i32
    %c0_i32_0 = arith.constant 0 : i32
    return %arg0, %c0_i32 : i32, i32
  }
}

module attributes {stable_mosaic.version = 14 : i64} {
  func.func @_mid_body(%arg0: i32, %arg1: memref<1x2x16x1000xf32, #tpu.memory_space<vmem>>, %arg2: memref<2x1000x128xf32, #tpu.memory_space<vmem>>, %arg3: memref<1x128xf32, #tpu.memory_space<vmem>>, %arg4: memref<128x128xf32, #tpu.memory_space<vmem>>, %arg5: memref<1000x128xf32, #tpu.memory_space<vmem>>) attributes {dimension_semantics = [#tpu.dimension_semantics<arbitrary>], iteration_bounds = array<i64: 10>, scalar_prefetch = 0 : i64, scratch_operands = 0 : i64, tpu.core_type = #tpu.core_type<tc>, window_params = [{transform_indices = @transform_0, window_bounds = array<i64: 1, 2, 16, 1000>}, {transform_indices = @transform_1, window_bounds = array<i64: 2, 1000, 128>}, {pipeline_mode = #tpu.pipeline_mode<synchronous>, transform_indices = @transform_2, window_bounds = array<i64: 1, 128>}, {pipeline_mode = #tpu.pipeline_mode<synchronous>, transform_indices = @transform_3, window_bounds = array<i64: 128, 128>}, {transform_indices = @transform_4, window_bounds = array<i64: 1000, 128>}]} {
    %get3A = arith.constant 0 : index
    %get3A_0 = arith.constant 1 : index
    %get3A_1 = arith.constant 0 : index
    %get3A_2 = arith.constant 0 : index
    %get3A_3 = vector.load %arg1[%get3A, %get3A_0, %get3A_1, %get3A_2] : memref<1x2x16x1000xf32, #tpu.memory_space<vmem>>, vector<1x1x16x1000xf32>
    %get3A_4 = vector.shape_cast %get3A_3 : vector<1x1x16x1000xf32> to vector<16x1000xf32>
    %reduce_sum3A = arith.constant dense<0.000000e+00> : vector<1000xf32>
    %reduce_sum3A_5 = vector.multi_reduction <add>, %get3A_4, %reduce_sum3A [0] : vector<16x1000xf32> to vector<1000xf32>
    %max3A = arith.constant 1.000000e+00 : f32
    %max3A_6 = vector.broadcast %max3A : f32 to vector<1000xf32>
    %max3A_7 = arith.maximumf %reduce_sum3A_5, %max3A_6 : vector<1000xf32>
    %rsqrt3A = math.rsqrt %max3A_7 : vector<1000xf32>
    %get3A_8 = arith.constant 0 : index
    %get3A_9 = arith.constant 0 : index
    %get3A_10 = arith.constant 0 : index
    %get3A_11 = vector.load %arg2[%get3A_8, %get3A_9, %get3A_10] : memref<2x1000x128xf32, #tpu.memory_space<vmem>>, vector<1x1000x128xf32>
    %get3A_12 = vector.shape_cast %get3A_11 : vector<1x1000x128xf32> to vector<1000x128xf32>
    %get3A_13 = arith.constant 1 : index
    %get3A_14 = arith.constant 0 : index
    %get3A_15 = arith.constant 0 : index
    %get3A_16 = vector.load %arg2[%get3A_13, %get3A_14, %get3A_15] : memref<2x1000x128xf32, #tpu.memory_space<vmem>>, vector<1x1000x128xf32>
    %get3A_17 = vector.shape_cast %get3A_16 : vector<1x1000x128xf32> to vector<1000x128xf32>
    %add3A = arith.addf %get3A_12, %get3A_17 : vector<1000x128xf32>
    %broadcast_in_dim3A = vector.shape_cast %rsqrt3A : vector<1000xf32> to vector<1000x1xf32>
    %mul3A = vector.broadcast %broadcast_in_dim3A : vector<1000x1xf32> to vector<1000x128xf32>
    %mul3A_18 = arith.mulf %add3A, %mul3A : vector<1000x128xf32>
    %get3A_19 = arith.constant 0 : index
    %get3A_20 = arith.constant 0 : index
    %get3A_21 = vector.load %arg3[%get3A_19, %get3A_20] : memref<1x128xf32, #tpu.memory_space<vmem>>, vector<1x128xf32>
    %get3A_22 = vector.shape_cast %get3A_21 : vector<1x128xf32> to vector<128xf32>
    %broadcast_in_dim3A_23 = vector.shape_cast %get3A_22 : vector<128xf32> to vector<1x128xf32>
    %add3A_24 = vector.broadcast %broadcast_in_dim3A_23 : vector<1x128xf32> to vector<1000x128xf32>
    %add3A_25 = arith.addf %mul3A_18, %add3A_24 : vector<1000x128xf32>
    %max3A_26 = arith.constant 0.000000e+00 : f32
    %max3A_27 = vector.broadcast %max3A_26 : f32 to vector<1000x128xf32>
    %max3A_28 = arith.maximumf %add3A_25, %max3A_27 : vector<1000x128xf32>
    %get3A_29 = arith.constant 0 : index
    %get3A_30 = arith.constant 0 : index
    %get3A_31 = arith.constant 0 : index
    %get3A_32 = arith.constant 0 : index
    %get3A_33 = vector.load %arg1[%get3A_29, %get3A_30, %get3A_31, %get3A_32] : memref<1x2x16x1000xf32, #tpu.memory_space<vmem>>, vector<1x1x16x1000xf32>
    %get3A_34 = vector.shape_cast %get3A_33 : vector<1x1x16x1000xf32> to vector<16x1000xf32>
    %reduce_sum3A_35 = arith.constant dense<0.000000e+00> : vector<1000xf32>
    %reduce_sum3A_36 = vector.multi_reduction <add>, %get3A_34, %reduce_sum3A_35 [0] : vector<16x1000xf32> to vector<1000xf32>
    %max3A_37 = arith.constant 1.000000e+00 : f32
    %max3A_38 = vector.broadcast %max3A_37 : f32 to vector<1000xf32>
    %max3A_39 = arith.maximumf %reduce_sum3A_36, %max3A_38 : vector<1000xf32>
    %rsqrt3A_40 = math.rsqrt %max3A_39 : vector<1000xf32>
    %broadcast_in_dim3A_41 = vector.shape_cast %rsqrt3A_40 : vector<1000xf32> to vector<1000x1xf32>
    %mul3A_42 = vector.broadcast %broadcast_in_dim3A_41 : vector<1000x1xf32> to vector<1000x128xf32>
    %mul3A_43 = arith.mulf %max3A_28, %mul3A_42 : vector<1000x128xf32>
    %get3A_44 = arith.constant 0 : index
    %get3A_45 = arith.constant 0 : index
    %get3A_46 = vector.load %arg4[%get3A_44, %get3A_45] : memref<128x128xf32, #tpu.memory_space<vmem>>, vector<128x128xf32>
    %dot_general3A = arith.constant dense<0.000000e+00> : vector<1000x128xf32>
    %dot_general3A_47 = tpu.matmul %mul3A_43, %get3A_46, %dot_general3A {dimension_numbers = #tpu.dot_dimension_numbers<[1], [0], [0], [1], [0, 0, 1, 1], [], []>, transpose_lhs_hint = false} : vector<1000x128xf32>, vector<128x128xf32>, vector<1000x128xf32> -> vector<1000x128xf32>
    %swap3A = arith.constant 0 : index
    %swap3A_48 = arith.constant 0 : index
    %swap3A_49 = vector.load %arg5[%swap3A, %swap3A_48] : memref<1000x128xf32, #tpu.memory_space<vmem>>, vector<1000x128xf32>
    tpu.vector_store %arg5[%swap3A, %swap3A_48], %dot_general3A_47 {strides = array<i32>} : memref<1000x128xf32, #tpu.memory_space<vmem>>, vector<1000x128xf32>,
    return
  }
  func.func @transform_0(%arg0: i32) -> (i32, i32, i32, i32) {
    %c0_i32 = arith.constant 0 : i32
    %c0_i32_0 = arith.constant 0 : i32
    %c0_i32_1 = arith.constant 0 : i32
    %c0_i32_2 = arith.constant 0 : i32
    return %arg0, %c0_i32, %c0_i32_0, %c0_i32_1 : i32, i32, i32, i32
  }
  func.func @transform_1(%arg0: i32) -> (i32, i32, i32) {
    %c0_i32 = arith.constant 0 : i32
    %c0_i32_0 = arith.constant 0 : i32
    %c0_i32_1 = arith.constant 0 : i32
    return %c0_i32, %arg0, %c0_i32_0 : i32, i32, i32
  }
  func.func @transform_2(%arg0: i32) -> (i32, i32) {
    %c0_i32 = arith.constant 0 : i32
    %c0_i32_0 = arith.constant 0 : i32
    %c0_i32_1 = arith.constant 0 : i32
    return %c0_i32, %c0_i32_0 : i32, i32
  }
  func.func @transform_3(%arg0: i32) -> (i32, i32) {
    %c0_i32 = arith.constant 0 : i32
    %c0_i32_0 = arith.constant 0 : i32
    %c0_i32_1 = arith.constant 0 : i32
    return %c0_i32, %c0_i32_0 : i32, i32
  }
  func.func @transform_4(%arg0: i32) -> (i32, i32) {
    %c0_i32 = arith.constant 0 : i32
    %c0_i32_0 = arith.constant 0 : i32
    return %arg0, %c0_i32 : i32, i32
  }
}

module attributes {stable_mosaic.version = 14 : i64} {
  func.func @_mid_body(%arg0: i32, %arg1: memref<1x2x16x1000xf32, #tpu.memory_space<vmem>>, %arg2: memref<2x1000x128xf32, #tpu.memory_space<vmem>>, %arg3: memref<1x128xf32, #tpu.memory_space<vmem>>, %arg4: memref<128x64xf32, #tpu.memory_space<vmem>>, %arg5: memref<1000x64xf32, #tpu.memory_space<vmem>>) attributes {dimension_semantics = [#tpu.dimension_semantics<arbitrary>], iteration_bounds = array<i64: 10>, scalar_prefetch = 0 : i64, scratch_operands = 0 : i64, tpu.core_type = #tpu.core_type<tc>, window_params = [{transform_indices = @transform_0, window_bounds = array<i64: 1, 2, 16, 1000>}, {transform_indices = @transform_1, window_bounds = array<i64: 2, 1000, 128>}, {pipeline_mode = #tpu.pipeline_mode<synchronous>, transform_indices = @transform_2, window_bounds = array<i64: 1, 128>}, {pipeline_mode = #tpu.pipeline_mode<synchronous>, transform_indices = @transform_3, window_bounds = array<i64: 128, 64>}, {transform_indices = @transform_4, window_bounds = array<i64: 1000, 64>}]} {
    %get3A = arith.constant 0 : index
    %get3A_0 = arith.constant 1 : index
    %get3A_1 = arith.constant 0 : index
    %get3A_2 = arith.constant 0 : index
    %get3A_3 = vector.load %arg1[%get3A, %get3A_0, %get3A_1, %get3A_2] : memref<1x2x16x1000xf32, #tpu.memory_space<vmem>>, vector<1x1x16x1000xf32>
    %get3A_4 = vector.shape_cast %get3A_3 : vector<1x1x16x1000xf32> to vector<16x1000xf32>
    %reduce_sum3A = arith.constant dense<0.000000e+00> : vector<1000xf32>
    %reduce_sum3A_5 = vector.multi_reduction <add>, %get3A_4, %reduce_sum3A [0] : vector<16x1000xf32> to vector<1000xf32>
    %max3A = arith.constant 1.000000e+00 : f32
    %max3A_6 = vector.broadcast %max3A : f32 to vector<1000xf32>
    %max3A_7 = arith.maximumf %reduce_sum3A_5, %max3A_6 : vector<1000xf32>
    %rsqrt3A = math.rsqrt %max3A_7 : vector<1000xf32>
    %get3A_8 = arith.constant 0 : index
    %get3A_9 = arith.constant 0 : index
    %get3A_10 = arith.constant 0 : index
    %get3A_11 = vector.load %arg2[%get3A_8, %get3A_9, %get3A_10] : memref<2x1000x128xf32, #tpu.memory_space<vmem>>, vector<1x1000x128xf32>
    %get3A_12 = vector.shape_cast %get3A_11 : vector<1x1000x128xf32> to vector<1000x128xf32>
    %get3A_13 = arith.constant 1 : index
    %get3A_14 = arith.constant 0 : index
    %get3A_15 = arith.constant 0 : index
    %get3A_16 = vector.load %arg2[%get3A_13, %get3A_14, %get3A_15] : memref<2x1000x128xf32, #tpu.memory_space<vmem>>, vector<1x1000x128xf32>
    %get3A_17 = vector.shape_cast %get3A_16 : vector<1x1000x128xf32> to vector<1000x128xf32>
    %add3A = arith.addf %get3A_12, %get3A_17 : vector<1000x128xf32>
    %broadcast_in_dim3A = vector.shape_cast %rsqrt3A : vector<1000xf32> to vector<1000x1xf32>
    %mul3A = vector.broadcast %broadcast_in_dim3A : vector<1000x1xf32> to vector<1000x128xf32>
    %mul3A_18 = arith.mulf %add3A, %mul3A : vector<1000x128xf32>
    %get3A_19 = arith.constant 0 : index
    %get3A_20 = arith.constant 0 : index
    %get3A_21 = vector.load %arg3[%get3A_19, %get3A_20] : memref<1x128xf32, #tpu.memory_space<vmem>>, vector<1x128xf32>
    %get3A_22 = vector.shape_cast %get3A_21 : vector<1x128xf32> to vector<128xf32>
    %broadcast_in_dim3A_23 = vector.shape_cast %get3A_22 : vector<128xf32> to vector<1x128xf32>
    %add3A_24 = vector.broadcast %broadcast_in_dim3A_23 : vector<1x128xf32> to vector<1000x128xf32>
    %add3A_25 = arith.addf %mul3A_18, %add3A_24 : vector<1000x128xf32>
    %max3A_26 = arith.constant 0.000000e+00 : f32
    %max3A_27 = vector.broadcast %max3A_26 : f32 to vector<1000x128xf32>
    %max3A_28 = arith.maximumf %add3A_25, %max3A_27 : vector<1000x128xf32>
    %get3A_29 = arith.constant 0 : index
    %get3A_30 = arith.constant 0 : index
    %get3A_31 = arith.constant 0 : index
    %get3A_32 = arith.constant 0 : index
    %get3A_33 = vector.load %arg1[%get3A_29, %get3A_30, %get3A_31, %get3A_32] : memref<1x2x16x1000xf32, #tpu.memory_space<vmem>>, vector<1x1x16x1000xf32>
    %get3A_34 = vector.shape_cast %get3A_33 : vector<1x1x16x1000xf32> to vector<16x1000xf32>
    %reduce_sum3A_35 = arith.constant dense<0.000000e+00> : vector<1000xf32>
    %reduce_sum3A_36 = vector.multi_reduction <add>, %get3A_34, %reduce_sum3A_35 [0] : vector<16x1000xf32> to vector<1000xf32>
    %max3A_37 = arith.constant 1.000000e+00 : f32
    %max3A_38 = vector.broadcast %max3A_37 : f32 to vector<1000xf32>
    %max3A_39 = arith.maximumf %reduce_sum3A_36, %max3A_38 : vector<1000xf32>
    %rsqrt3A_40 = math.rsqrt %max3A_39 : vector<1000xf32>
    %broadcast_in_dim3A_41 = vector.shape_cast %rsqrt3A_40 : vector<1000xf32> to vector<1000x1xf32>
    %mul3A_42 = vector.broadcast %broadcast_in_dim3A_41 : vector<1000x1xf32> to vector<1000x128xf32>
    %mul3A_43 = arith.mulf %max3A_28, %mul3A_42 : vector<1000x128xf32>
    %get3A_44 = arith.constant 0 : index
    %get3A_45 = arith.constant 0 : index
    %get3A_46 = vector.load %arg4[%get3A_44, %get3A_45] : memref<128x64xf32, #tpu.memory_space<vmem>>, vector<128x64xf32>
    %dot_general3A = arith.constant dense<0.000000e+00> : vector<1000x64xf32>
    %dot_general3A_47 = tpu.matmul %mul3A_43, %get3A_46, %dot_general3A {dimension_numbers = #tpu.dot_dimension_numbers<[1], [0], [0], [1], [0, 0, 1, 1], [], []>, transpose_lhs_hint = false} : vector<1000x128xf32>, vector<128x64xf32>, vector<1000x64xf32> -> vector<1000x64xf32>
    %swap3A = arith.constant 0 : index
    %swap3A_48 = arith.constant 0 : index
    %swap3A_49 = vector.load %arg5[%swap3A, %swap3A_48] : memref<1000x64xf32, #tpu.memory_space<vmem>>, vector<1000x64xf32>
    tpu.vector_store %arg5[%swap3A, %swap3A_48], %dot_general3A_47 {strides = array<i32>} : memref<1000x64xf32, #tpu.memory_space<vmem>>, vector<1000x64xf32>,
    return
  }
  func.func @transform_0(%arg0: i32) -> (i32, i32, i32, i32) {
    %c0_i32 = arith.constant 0 : i32
    %c0_i32_0 = arith.constant 0 : i32
    %c0_i32_1 = arith.constant 0 : i32
    %c0_i32_2 = arith.constant 0 : i32
    return %arg0, %c0_i32, %c0_i32_0, %c0_i32_1 : i32, i32, i32, i32
  }
  func.func @transform_1(%arg0: i32) -> (i32, i32, i32) {
    %c0_i32 = arith.constant 0 : i32
    %c0_i32_0 = arith.constant 0 : i32
    %c0_i32_1 = arith.constant 0 : i32
    return %c0_i32, %arg0, %c0_i32_0 : i32, i32, i32
  }
  func.func @transform_2(%arg0: i32) -> (i32, i32) {
    %c0_i32 = arith.constant 0 : i32
    %c0_i32_0 = arith.constant 0 : i32
    %c0_i32_1 = arith.constant 0 : i32
    return %c0_i32, %c0_i32_0 : i32, i32
  }
  func.func @transform_3(%arg0: i32) -> (i32, i32) {
    %c0_i32 = arith.constant 0 : i32
    %c0_i32_0 = arith.constant 0 : i32
    %c0_i32_1 = arith.constant 0 : i32
    return %c0_i32, %c0_i32_0 : i32, i32
  }
  func.func @transform_4(%arg0: i32) -> (i32, i32) {
    %c0_i32 = arith.constant 0 : i32
    %c0_i32_0 = arith.constant 0 : i32
    return %arg0, %c0_i32 : i32, i32
  }
}

module attributes {stable_mosaic.version = 14 : i64} {
  func.func @_fin_body(%arg0: i32, %arg1: memref<1x2x16x1000xf32, #tpu.memory_space<vmem>>, %arg2: memref<2x1000x64xf32, #tpu.memory_space<vmem>>, %arg3: memref<1x64xf32, #tpu.memory_space<vmem>>, %arg4: memref<1000x64xf32, #tpu.memory_space<vmem>>) attributes {dimension_semantics = [#tpu.dimension_semantics<arbitrary>], iteration_bounds = array<i64: 10>, scalar_prefetch = 0 : i64, scratch_operands = 0 : i64, tpu.core_type = #tpu.core_type<tc>, window_params = [{transform_indices = @transform_0, window_bounds = array<i64: 1, 2, 16, 1000>}, {transform_indices = @transform_1, window_bounds = array<i64: 2, 1000, 64>}, {pipeline_mode = #tpu.pipeline_mode<synchronous>, transform_indices = @transform_2, window_bounds = array<i64: 1, 64>}, {transform_indices = @transform_3, window_bounds = array<i64: 1000, 64>}]} {
    %get3A = arith.constant 0 : index
    %get3A_0 = arith.constant 1 : index
    %get3A_1 = arith.constant 0 : index
    %get3A_2 = arith.constant 0 : index
    %get3A_3 = vector.load %arg1[%get3A, %get3A_0, %get3A_1, %get3A_2] : memref<1x2x16x1000xf32, #tpu.memory_space<vmem>>, vector<1x1x16x1000xf32>
    %get3A_4 = vector.shape_cast %get3A_3 : vector<1x1x16x1000xf32> to vector<16x1000xf32>
    %reduce_sum3A = arith.constant dense<0.000000e+00> : vector<1000xf32>
    %reduce_sum3A_5 = vector.multi_reduction <add>, %get3A_4, %reduce_sum3A [0] : vector<16x1000xf32> to vector<1000xf32>
    %max3A = arith.constant 1.000000e+00 : f32
    %max3A_6 = vector.broadcast %max3A : f32 to vector<1000xf32>
    %max3A_7 = arith.maximumf %reduce_sum3A_5, %max3A_6 : vector<1000xf32>
    %rsqrt3A = math.rsqrt %max3A_7 : vector<1000xf32>
    %get3A_8 = arith.constant 0 : index
    %get3A_9 = arith.constant 0 : index
    %get3A_10 = arith.constant 0 : index
    %get3A_11 = vector.load %arg2[%get3A_8, %get3A_9, %get3A_10] : memref<2x1000x64xf32, #tpu.memory_space<vmem>>, vector<1x1000x64xf32>
    %get3A_12 = vector.shape_cast %get3A_11 : vector<1x1000x64xf32> to vector<1000x64xf32>
    %get3A_13 = arith.constant 1 : index
    %get3A_14 = arith.constant 0 : index
    %get3A_15 = arith.constant 0 : index
    %get3A_16 = vector.load %arg2[%get3A_13, %get3A_14, %get3A_15] : memref<2x1000x64xf32, #tpu.memory_space<vmem>>, vector<1x1000x64xf32>
    %get3A_17 = vector.shape_cast %get3A_16 : vector<1x1000x64xf32> to vector<1000x64xf32>
    %add3A = arith.addf %get3A_12, %get3A_17 : vector<1000x64xf32>
    %broadcast_in_dim3A = vector.shape_cast %rsqrt3A : vector<1000xf32> to vector<1000x1xf32>
    %mul3A = vector.broadcast %broadcast_in_dim3A : vector<1000x1xf32> to vector<1000x64xf32>
    %mul3A_18 = arith.mulf %add3A, %mul3A : vector<1000x64xf32>
    %get3A_19 = arith.constant 0 : index
    %get3A_20 = arith.constant 0 : index
    %get3A_21 = vector.load %arg3[%get3A_19, %get3A_20] : memref<1x64xf32, #tpu.memory_space<vmem>>, vector<1x64xf32>
    %get3A_22 = vector.shape_cast %get3A_21 : vector<1x64xf32> to vector<64xf32>
    %broadcast_in_dim3A_23 = vector.shape_cast %get3A_22 : vector<64xf32> to vector<1x64xf32>
    %add3A_24 = vector.broadcast %broadcast_in_dim3A_23 : vector<1x64xf32> to vector<1000x64xf32>
    %add3A_25 = arith.addf %mul3A_18, %add3A_24 : vector<1000x64xf32>
    %swap3A = arith.constant 0 : index
    %swap3A_26 = arith.constant 0 : index
    %swap3A_27 = vector.load %arg4[%swap3A, %swap3A_26] : memref<1000x64xf32, #tpu.memory_space<vmem>>, vector<1000x64xf32>
    tpu.vector_store %arg4[%swap3A, %swap3A_26], %add3A_25 {strides = array<i32>} : memref<1000x64xf32, #tpu.memory_space<vmem>>, vector<1000x64xf32>,
    return
  }
  func.func @transform_0(%arg0: i32) -> (i32, i32, i32, i32) {
    %c0_i32 = arith.constant 0 : i32
    %c0_i32_0 = arith.constant 0 : i32
    %c0_i32_1 = arith.constant 0 : i32
    %c0_i32_2 = arith.constant 0 : i32
    return %arg0, %c0_i32, %c0_i32_0, %c0_i32_1 : i32, i32, i32, i32
  }
  func.func @transform_1(%arg0: i32) -> (i32, i32, i32) {
    %c0_i32 = arith.constant 0 : i32
    %c0_i32_0 = arith.constant 0 : i32
    %c0_i32_1 = arith.constant 0 : i32
    return %c0_i32, %arg0, %c0_i32_0 : i32, i32, i32
  }
  func.func @transform_2(%arg0: i32) -> (i32, i32) {
    %c0_i32 = arith.constant 0 : i32
    %c0_i32_0 = arith.constant 0 : i32
    %c0_i32_1 = arith.constant 0 : i32
    return %c0_i32, %c0_i32_0 : i32, i32
  }
  func.func @transform_3(%arg0: i32) -> (i32, i32) {
    %c0_i32 = arith.constant 0 : i32
    %c0_i32_0 = arith.constant 0 : i32
    return %arg0, %c0_i32 : i32, i32
  }
}

</mosaic_0001>

<sc_bundles>
// kernel: kernel.10.cloned.1.call-start
scs
__scs_entry_jumppad:
0x0: {  	(pc) =	sbr.rel $0x88, $3  }
0x1: {  	(tag) =	ssettag $0x0;
	lr =	simm.s32 $0x1  }
0x2: {  	[smem:$0x3F99] =	sst lr;
	_ =	strace $0xD0000000  }
0x3: {  	_ = 	snop  }
0x4: {  	_ = 	snop  }
0x5: {  	_ = 	snop  }
0x6: {  	_ = 	snop  }
0x7: {  	_ = 	snop  }
__scs_overlays_trampoline_lowered:
0x8: {  	[smem:$0x3FA8] =	sst s0  }
0x9: {  	[smem:$0x3FA9] =	sst s1  }
0xa: {  	[smem:$0x3FAA] =	sst s2  }
0xb: {  	[smem:$0x3FAB] =	sst s3  }
0xc: {  	[smem:$0x3FAC] =	sst s4  }
0xd: {  	[smem:$0x3FAD] =	sst s5  }
0xe: {  	[smem:$0x3FAE] =	sst s6  }
0xf: {  	[smem:$0x3FAF] =	sst s7  }
0x10: {  	[smem:$0x3FB0] =	sst s8  }
0x11: {  	[smem:$0x3FB1] =	sst s9;
	s0 =	simm.s32 @!p0 $0x0  }
0x12: {  	s1 =	sld [smem:$0x3F97];
	s0 =	simm.s32 @p0 $0x1  }
0x13: {  	[smem:$0x3FB2] =	sst s0;
	s0 =	simm.s32 @!p1 $0x0  }
0x14: {  	s2 =	sld [smem:$0x3F96];
	s0 =	simm.s32 @p1 $0x1  }
0x15: {  	[smem:$0x3FB3] =	sst s0;
	s0 =	simm.s32 @!p2 $0x0  }
0x16: {  	s3 =	sld [smem:$0x3FDB];
	s0 =	simm.s32 @p2 $0x1  }
0x17: {  	s4 =	simm.s32 $0x1BF5;
	[smem:$0x3FB5] =	sst s0  }
0x18: {  	s0 =	sld [smem:$0x3F98];
	_ =	swait.ge [sflag:s4], $0x0  }
0x19: {  	s7 =	sld [smem:$0x3F99]  }
0x1a: {  	s8 =	sadd.s32 $0xFFFFE003, lr  }
0x1b: {  	s9 =	sadd.s32 $0xFFFFFEF7, lr;
	s5 =	simm.s32 $0xFFFFFFFF;
	p2 =	slt.u32 s8, $0xFFFFF086  }
0x1c: {  	p1 =	slt.u32 s9, $0xF7A;
	s5 =	simm.s32 @!p2 $0x0  }
0x1d: {  	s5 =	simm.s32 @p1 $0x1;
	p0 =	seq.s32 s7, s2  }
0x1e: {  	s7 =	smul.u32 @!p0 $0xF7A, s2;
	p2 =	seq.s32 @!p0 s5, $0x0  }
0x1f: {  	s9 =	smul.u32 $0xF7A, s1;
	s8 =	simm.s32 @!p0 $0x1BF5;
	p2 =	por !p2, p0  }
0x20: {  	[sflag:s8] =	ssyncset.s32 @!p0 $0xFFFFF086;
	s6 =	sadd.s32 @!p0 s3, s7;
	s7 =	simm.s32 @!p0 $0x108  }
0x21: {  	s3 =	sadd.s32 s3, s9;
	s6 =	sadd.s32 @!p0 $0x88, s6;
	s7 =	simm.s32 @p2 $0x1082  }
0x22: {  	[simem:s7], [sflag:s8] =	dma.local @!p0 [hbm:s6], $0xF7A  }
0x23: {  	s9 =	sor.u32 $0xD0000000, s2;
	s6 =	simm.s32 $0x108;
	_ =	swait.ge @!p0 [sflag:s8], $0x0  }
0x24: {  	s3 =	sadd.s32 $0x88, s3;
	s6 =	simm.s32 @!p1 $0x1082;
	[sflag:s4] =	ssyncset.s32 $0xFFFFF086  }
0x25: {  	[simem:s6], [sflag:s4] =	dma.local [hbm:s3], $0xF7A  }
0x26: {  	[smem:$0x3F99] =	sst s1;
	(tag) =	ssettag s2;
	_ =	strace s9  }
0x27: {  	s1 =	sld [smem:$0x3FA9]  }
0x28: {  	s2 =	sld [smem:$0x3FAA]  }
0x29: {  	s4 =	sld [smem:$0x3FAC]  }
0x2a: {  	p0 =	seq.s32 s5, $0x0;
	s5 =	sld [smem:$0x3FAD]  }
0x2b: {  	s6 =	sld [smem:$0x3FAE]  }
0x2c: {  	s7 =	sld [smem:$0x3FAF]  }
0x2d: {  	s3 =	simm.s32 $0x108;
	s8 =	sld [smem:$0x3FB0]  }
0x2e: {  	s3 =	simm.s32 @!p0 $0x1082;
	s9 =	sld [smem:$0x3FB1]  }
0x2f: {  	lr =	sadd.s32 s0, s3;
	s0 =	sld [smem:$0x3FA8]  }
0x30: {  	s3 =	sld [smem:$0x3FAB]  }
0x31: {  	[smem:$0x3FB4] =	sst s10  }
0x32: {  	s10 =	sld [smem:$0x3FB2];
	_ =	sdelay $0x3  }
0x33: {  	p0 =	seq.s32 s10, $0x1;
	s10 =	sld [smem:$0x3FB4];
	_ =	sdelay $0x3  }
0x34: {  	[smem:$0x3FB4] =	sst s10  }
0x35: {  	s10 =	sld [smem:$0x3FB3];
	_ =	sdelay $0x3  }
0x36: {  	p1 =	seq.s32 s10, $0x1;
	s10 =	sld [smem:$0x3FB4];
	_ =	sdelay $0x3  }
0x37: {  	[smem:$0x3FB4] =	sst s10  }
0x38: {  	s10 =	sld [smem:$0x3FB5]  }
0x39: {  	_ = 	snop;
	(pc) =	sbr.ind lr, $3  }
0x3a: {  	_ = 	snop  }
0x3b: {  	_ = 	snop  }
0x3c: {  	p2 =	seq.s32 s10, $0x1;
	s10 =	sld [smem:$0x3FB4]  }
0x3d: {  	_ =	shalt  }
0x3e: {  	_ =	shalt  }
0x3f: {  	_ =	shalt  }
0x40: {  	_ =	shalt  }
0x41: {  	_ =	shalt  }
0x42: {  	_ =	shalt  }
0x43: {  	_ =	shalt  }
0x44: {  	_ =	shalt  }
0x45: {  	_ =	shalt  }
0x46: {  	_ =	shalt  }
0x47: {  	_ =	shalt  }
0x48: {  	_ =	shalt  }
0x49: {  	_ =	shalt  }
0x4a: {  	_ =	shalt  }
0x4b: {  	_ =	shalt  }
0x4c: {  	_ =	shalt  }
0x4d: {  	_ =	shalt  }
0x4e: {  	_ =	shalt  }
0x4f: {  	_ =	shalt  }
0x50: {  	_ =	shalt  }
0x51: {  	_ =	shalt  }
0x52: {  	_ =	shalt  }
0x53: {  	_ =	shalt  }
0x54: {  	_ =	shalt  }
0x55: {  	_ =	shalt  }
0x56: {  	_ =	shalt  }
0x57: {  	_ =	shalt  }
0x58: {  	_ =	shalt  }
0x59: {  	_ =	shalt  }
0x5a: {  	_ =	shalt  }
0x5b: {  	_ =	shalt  }
0x5c: {  	_ =	shalt  }
0x5d: {  	_ =	shalt  }
0x5e: {  	_ =	shalt  }
0x5f: {  	_ =	shalt  }
0x60: {  	_ =	shalt  }
0x61: {  	_ =	shalt  }
0x62: {  	_ =	shalt  }
0x63: {  	_ =	shalt  }
0x64: {  	_ =	shalt  }
0x65: {  	_ =	shalt  }
0x66: {  	_ =	shalt  }
0x67: {  	_ =	shalt  }
0x68: {  	_ =	shalt  }
0x69: {  	_ =	shalt  }
0x6a: {  	_ =	shalt  }
0x6b: {  	_ =	shalt  }
0x6c: {  	_ =	shalt  }
0x6d: {  	_ =	shalt  }
0x6e: {  	_ =	shalt  }
0x6f: {  	_ =	shalt  }
0x70: {  	_ =	shalt  }
0x71: {  	_ =	shalt  }
0x72: {  	_ =	shalt  }
0x73: {  	_ =	shalt  }
0x74: {  	_ =	shalt  }
0x75: {  	_ =	shalt  }
0x76: {  	_ =	shalt  }
0x77: {  	_ =	shalt  }
0x78: {  	_ =	shalt  }
0x79: {  	_ =	shalt  }
0x7a: {  	_ =	shalt  }
0x7b: {  	_ =	shalt  }
0x7c: {  	_ =	shalt  }
0x7d: {  	_ =	shalt  }
0x7e: {  	_ =	shalt  }
0x7f: {  	_ =	shalt  }
0x80: {  	_ =	shalt  }
0x81: {  	_ =	shalt  }
0x82: {  	_ =	shalt  }
0x83: {  	_ =	shalt  }
0x84: {  	_ =	shalt  }
0x85: {  	_ =	shalt  }
0x86: {  	_ =	shalt  }
0x87: {  	_ =	shalt  }
.Lfunc_end0:
.L_simem_size_0:
called_computation_lowered:
.L_overlay_start_0:
0x88: {  	s2 =	sld [smem:$0x3FD9]  }
0x89: {  	s3 =	sld [smem:$0x3FFE];
	_ =	sdelay $0x1  }
0x8a: {  	s1 =	srdreg.scid  }
0x8b: {  	s0 =	sand.u32 $0x1, s1  }
0x8c: {  	s17 =	sshll.u32 s0, $0xA;
	s2 =	sadd.s32 s3, s2  }
0x8d: {  	s2 =	sadd.s32 s2, s17  }
0x8e: {  	[smem:$0x3FC0] =	sst s2  }
0x8f: {  	_ = 	snop  }
0x90: {  	s2 =	sld [smem:$0x3FC8];
	(tm) =	ssettm $0x1  }
0x91: {  	s18 =	sld [smem:$0x3FFB];
	_ =	sdelay $0x3  }
0x92: {  	_ =	strace s18  }
0x93: {  	s3 =	sld [smem:$0x3FFC];
	_ =	sdelay $0x3  }
0x94: {  	_ =	strace s3  }
0x95: {  	s3 =	sld [smem:$0x3FFD];
	_ =	sdelay $0x3  }
0x96: {  	_ =	strace s3  }
0x97: {  	_ =	strace $0x8FFFFFFF  }
0x98: {  	s19 =	sld [smem:$0x3FDB];
	_ =	sdelay $0x1  }
0x99: {  	s4 =	simm.s32 $_scs_section_size  }
0x9a: {  	s5 =	simm.s32 $_size__tile_overlayer_lowered;
	s6 =	simm.s32 $_tile_overlayer_lowered  }
0x9b: {  	s22 =	simm.s32 $0x1BFF;
	s21 =	sshll.u32 s6, $0x1;
	s3 =	sadd.s32 s4, s19  }
0x9c: {  	s7 =	simm.s32 $0x0;
	s20 =	sshll.u32 s5, $0x1;
	s5 =	sadd.s32 s21, s3  }
0x9d: {  	[timem:s7], [sflag:s22] =	dma.local [hbm:s5], s20  }
0x9e: {  	_ =	swait.ge [sflag:s22], s20  }
0x9f: {  	s4 =	ssub.s32 $0x0, s20;
	[sflag:s22] =	ssyncset.done $0x0  }
0xa0: {  	[sflag:s22] =	ssyncadd.s32 s4;
	_ =	sdelay $0x1  }
0xa1: {  	s23 =	simm.s32 $0x1B8B  }
0xa2: {  	_ =	swait.ge [sflag:s23], $0x1  }
0xa3: {  	[sflag:s23] =	ssyncset.done $0x0  }
0xa4: {  	s25 =	simm.s32 $0x1B8E;
	s24 =	sld [smem:$0x3FFE];
	[sflag:s23] =	ssyncadd.s32 $0xFFFFFFFF  }
0xa5: {  	s26 =	simm.s32 $execute0_lowered;
	[smem:$0x3FD2] =	sst s25  }
0xa6: {  	s5 =	sshll.u32 s26, $0x1;
	_ =	strace $0x80000046;
	[dreg:$0x1] =	wrdreg $0xFFFFFFFF  }
0xa7: {  	s28 =	simm.s32 $_size_execute0_lowered;
	s3 =	sadd.s32 s3, s5;
	[dreg:$0x0] =	wrdreg $0x0  }
0xa8: {  	s5 =	sshll.u32 s28, $0x1;
	[dreg:$0x2] =	wrdreg s3  }
0xa9: {  	[dreg:$0x3] =	wrdreg s5  }
0xaa: {  	[dreg:$0x4] =	wrdreg $0xC0  }
0xab: {  	_ =	task [dreg:s7], $0x5FFFF  }
0xac: {  	[dreg:$0x1] =	wrdreg $0xFFFFFFFF  }
0xad: {  	[dreg:$0x0] =	wrdreg $0x60  }
0xae: {  	[dreg:$0x2] =	wrdreg s2  }
0xaf: {  	[dreg:$0x3] =	wrdreg s24  }
0xb0: {  	[dreg:$0x4] =	wrdreg $0x9  }
0xb1: {  	_ =	task.clear_ibuf [dreg:s7], $0x5FFFF;
	_ =	strace $0x90000046  }
0xb2: {  	s29 =	simm.s32 $0x9;
	_ =	strace $0x80000048  }
0xb3: {  	_ =	swait.ge [sflag:s29], $0x1  }
0xb4: {  	[sflag:s29] =	ssyncadd.s32 $0xFFFFFFFF  }
0xb5: {  	_ =	strace $0x90000048  }
0xb6: {  	_ =	sfence  }
0xb7: {  	s30 =	sld [smem:$0x0];
	_ =	sdelay $0x2  }
0xb8: {  	s31 =	sshll.u32 s1, $0xD;
	s1 =	sshrl.u32 s1, $0x2  }
0xb9: {  	s3 =	sand.u32 $0x4000, s31;
	s1 =	sadd.s32 s1, s30  }
0xba: {  	s0 =	sor.u32 s3, s0;
	s1 =	sshll.u32 s1, $0x11  }
0xbb: {  	s0 =	sor.u32 s1, s0  }
0xbc: {  	s0 =	sadd.s32 $0x8F2B, s0  }
0xbd: {  	[sflag:s0] =	ssyncadd.remote.s32 $0x1  }
0xbe: {  	_ =	sfence.sel $0xFFFF  }
0xbf: {  	[dreg:$0x0] =	wrdreg $0xFFFFFFFF;
	(pc) =	sbr.abs _section_cstart, $3  }
0xc0: {  	[dreg:$0x1] =	wrdreg $0xFFFFFFFF  }
0xc1: {  	_ =	task.clear_ibuf [dreg:s7], $0x2FFFF;
	_ =	strace $0x9FFFFFFF  }
0xc2: {  	(tm) =	ssettm $0x7FFFFFFF  }
0xc3: {  	_ =	shalt  }
tec
execute0_lowered:
.L_overlay_start_1:
0x0: {  	(tag) =	ssettag $0x1  }
0x1: {  	s6 =	rddreg [dreg:$0x0]  }
0x2: {  	s4 =	rddreg [dreg:$0x1];
	s1 =	srdreg.scid  }
0x3: {  	s0 =	rddreg [dreg:$0x2];
	s2 =	simm.s32 $0x0;
	s7 =	sand.u32 $0x1, s1  }
0x4: {  	s13 =	simm.s32 $0x0;
	s1 =	stileid.u32;
	s5 =	smul.u32 $0x13C000, s7  }
0x5: {  	[smem:$0x7FF] =	sst s2;
	s3 =	sadd.s32 $0x2E00, s4;
	s8 =	smul.u32 $0x13C00, s1  }
0x6: {  	_ =	strace $0x80000047;
	s31 =	ssub.s32 $0x2, s7;
	s9 =	smul.u32 $0xF, s1  }
0x7: {  	s11 =	smin.u32 s1, $0xA;
	p0 =	slt.u32 s1, $0xA;
	s7 =	sshll.u32 s7, $0x4  }
0x8: {  	s10 =	sshrl.u32 s31, $0x1;
	s6 =	sadd.s32 s6, s7;
	s5 =	sadd.s32 s8, s5  }
0x9: {  	s8 =	ssub.s32 s31, s10;
	s10 =	simm.s32 $0x1;
	s5 =	sshrl.u32 s5, $0x3  }
0xa: {  	s8 =	smax.u32 s8, $0x1;
	s12 =	sadd.s32 s5, s4;
	s4 =	sadd.s32 s11, s9  }
0xb: {  	s5 =	simm.s32 $0x10;
	s9 =	simm.s32 $0x500;
	s11 =	simm.s32 $0x80  }
0xc: {  	v0 =	vimm.f32 $1.000000000e+00;
	s5 =	simm.s32 @!p0 $0xF;
	s7 =	sadd.s32 $0x5600, s12;
	s12 =	simm.s32 $0x100  }
.LBB2_1:
0xd: {  	[tilespmem:s9], [sflag:$0x1] =	stream.linear.gather [hbm4b:s3+s2], $0x13880, $0x38;
	[tilespmem:$0x14100] =	vst v63  }
0xe: {  	_ =	swait.ge [sflag:s10], $0x13880  }
0xf: {  	[sflag:s10] =	ssyncset.done $0x0  }
0x10: {  	s14 =	simm.s32 $0x0;
	[sflag:s10] =	ssyncadd.s32 $0xFFFEC780  }
.LBB2_2:
0x11: {  	s15 =	sadd.s32 s14, s4  }
0x12: {  	s15 =	smul.u32 $0xA00, s15;
	_ =	sdelay $0x1  }
0x13: {  	s15 =	sshrl.u32 s15, $0x3  }
0x14: {  	s16 =	simm.s32 $0x0;
	s15 =	sadd.s32 s15, s6  }
0x15: {  	[tilespmem:s16], [sflag:$0x1] =	stream.strided.gather [hbm4b:s15+s11], $0x500, s12, s11, $0x38;
	[tilespmem:$0x14100] =	vst v63  }
0x16: {  	_ =	swait.ge [sflag:s10], $0x500  }
0x17: {  	[sflag:s10] =	ssyncset.done $0x0  }
0x18: {  	s16 =	simm.s32 $0x0;
	s15 =	simm.s32 $0x40;
	[sflag:s10] =	ssyncadd.s32 $0xFFFFFB00  }
.LBB2_3:
0x19: {  	p0 =	sne.s32 s15, $0x13C0;
	v1 =	vld [tilespmem:s16+$0x0];
	_ =	sdelay $0x4  }
0x1a: {  	v2 =	vshll.u32 v1, $0x3  }
0x1b: {  	v1 =	vand.u32 $0xF, v1;
	v2 =	vand.u32 $0xFFFFFF80, v2  }
0x1c: {  	v1 =	vor.u32 v1, v2  }
.Ltmp0:
0x1d: {  	(pc) =	sbr.rel @p0 .LBB2_3-.Ltmp0, $2  }
0x1e: {  	_ =	sdelay $0x2  }
0x1f: {  	s16 =	sshra.s32 s15, $0x2;
	s15 =	sadd.s32 $0x40, s15;
	[tilespmem:v1+s9+$0x0] =	vst.idx.add.f32.msk $0xffff, v0  }
0x20: {  	v1 =	vld [tilespmem:s16+$0x0];
	_ =	sdelay $0x4  }
0x21: {  	v2 =	vshll.u32 v1, $0x3  }
0x22: {  	s14 =	sadd.s32 $0x1, s14;
	v1 =	vand.u32 $0xF, v1;
	v2 =	vand.u32 $0xFFFFFF80, v2  }
0x23: {  	p0 =	sne.s32 s14, s5;
	v1 =	vor.u32 v1, v2  }
.Ltmp1:
0x24: {  	_ = 	snop;
	(pc) =	sbr.rel @p0 .LBB2_2-.Ltmp1, $2  }
0x25: {  	_ =	sdelay $0x2  }
0x26: {  	[tilespmem:v1+s9+$0x0] =	vst.idx.add.f32.msk $0xffff, v0  }
0x27: {  	s13 =	sadd.s32 $0x1, s13  }
0x28: {  	p0 =	sne.s32 s13, s8  }
.Ltmp2:
0x29: {  	_ = 	snop;
	(pc) =	sbr.rel @p0 .LBB2_1-.Ltmp2, $4  }
0x2a: {  	[hbm4b:s7+s2] =	stream.linear.scatter [tilespmem:s9], [sflag:$0x1], $0x13880, $0x38;
	[tilespmem:$0x14100] =	vst v63  }
0x2b: {  	_ =	swait.ge [sflag:s10], $0x13880  }
0x2c: {  	[sflag:s10] =	ssyncset.done $0x0  }
0x2d: {  	[sflag:s10] =	ssyncadd.s32 $0xFFFEC780  }
0x2e: {  	_ =	sfence.sel $0x180000  }
0x2f: {  	[bflag:$0x0] =	sbarrier.arrive $0xFFFF  }
0x30: {  	p0 =	sne.s32 s1, $0x0;
	_ =	strace $0x90000047  }
0x31: {  	s0 =	sadd.s32 @!p0 $0x100000, s0;
	[bflag:$0x2] =	sbarrier.arrive $0xFFFF  }
0x32: {  	[sflag:s0] =	ssyncadd.tile.s32 @!p0 $0x1;
	_ =	shalt  }
.Lfunc_end2:
_tile_overlayer_lowered:
.L_overlay_start_2:
0x33: {  	(tag) =	ssettag $0x2  }
0x34: {  	s0 =	rddreg [dreg:$0x0];
	s2 =	stileid.u32  }
0x35: {  	s1 =	rddreg [dreg:$0x1];
	p0 =	sne.s32 s2, $0x0  }
0x36: {  	s3 =	rddreg [dreg:$0x2];
	[bflag:$0x3] =	sbarrier.arrive $0xFFFF;
	s2 =	simm.s32 @!p0 $0x1C01  }
0x37: {  	[timem:s3], [sflag:s2] =	dma.local @!p0 [hbm:s0], s1  }
0x38: {  	s0 =	simm.s32 @!p0 $0x1  }
0x39: {  	_ =	swait.ge @!p0 [sflag:s0], s1  }
0x3a: {  	s1 =	ssub.s32 @!p0 $0x0, s1;
	[sflag:s0] =	ssyncset.done @!p0 $0x0  }
0x3b: {  	[sflag:s0] =	ssyncadd.s32 @!p0 s1  }
0x3c: {  	[bflag:$0x3] =	sbarrier.arrive $0xFFFF  }
0x3d: {  	_ =	shalt  }

// kernel: kernel.13.cloned.1.call-start
scs
__scs_entry_jumppad:
0x0: {  	(pc) =	sbr.rel $0x88, $3  }
0x1: {  	(tag) =	ssettag $0x0;
	lr =	simm.s32 $0x1  }
0x2: {  	[smem:$0x3F99] =	sst lr;
	_ =	strace $0xD0000000  }
0x3: {  	_ = 	snop  }
0x4: {  	_ = 	snop  }
0x5: {  	_ = 	snop  }
0x6: {  	_ = 	snop  }
0x7: {  	_ = 	snop  }
__scs_overlays_trampoline_lowered:
0x8: {  	[smem:$0x3FA8] =	sst s0  }
0x9: {  	[smem:$0x3FA9] =	sst s1  }
0xa: {  	[smem:$0x3FAA] =	sst s2  }
0xb: {  	[smem:$0x3FAB] =	sst s3  }
0xc: {  	[smem:$0x3FAC] =	sst s4  }
0xd: {  	[smem:$0x3FAD] =	sst s5  }
0xe: {  	[smem:$0x3FAE] =	sst s6  }
0xf: {  	[smem:$0x3FAF] =	sst s7  }
0x10: {  	[smem:$0x3FB0] =	sst s8  }
0x11: {  	[smem:$0x3FB1] =	sst s9;
	s0 =	simm.s32 @!p0 $0x0  }
0x12: {  	s1 =	sld [smem:$0x3F97];
	s0 =	simm.s32 @p0 $0x1  }
0x13: {  	[smem:$0x3FB2] =	sst s0;
	s0 =	simm.s32 @!p1 $0x0  }
0x14: {  	s2 =	sld [smem:$0x3F96];
	s0 =	simm.s32 @p1 $0x1  }
0x15: {  	[smem:$0x3FB3] =	sst s0;
	s0 =	simm.s32 @!p2 $0x0  }
0x16: {  	s3 =	sld [smem:$0x3FDB];
	s0 =	simm.s32 @p2 $0x1  }
0x17: {  	s4 =	simm.s32 $0x1BF5;
	[smem:$0x3FB5] =	sst s0  }
0x18: {  	s0 =	sld [smem:$0x3F98];
	_ =	swait.ge [sflag:s4], $0x0  }
0x19: {  	s7 =	sld [smem:$0x3F99]  }
0x1a: {  	s8 =	sadd.s32 $0xFFFFE003, lr  }
0x1b: {  	s9 =	sadd.s32 $0xFFFFFEF7, lr;
	s5 =	simm.s32 $0xFFFFFFFF;
	p2 =	slt.u32 s8, $0xFFFFF086  }
0x1c: {  	p1 =	slt.u32 s9, $0xF7A;
	s5 =	simm.s32 @!p2 $0x0  }
0x1d: {  	s5 =	simm.s32 @p1 $0x1;
	p0 =	seq.s32 s7, s2  }
0x1e: {  	s7 =	smul.u32 @!p0 $0xF7A, s2;
	p2 =	seq.s32 @!p0 s5, $0x0  }
0x1f: {  	s9 =	smul.u32 $0xF7A, s1;
	s8 =	simm.s32 @!p0 $0x1BF5;
	p2 =	por !p2, p0  }
0x20: {  	[sflag:s8] =	ssyncset.s32 @!p0 $0xFFFFF086;
	s6 =	sadd.s32 @!p0 s3, s7;
	s7 =	simm.s32 @!p0 $0x108  }
0x21: {  	s3 =	sadd.s32 s3, s9;
	s6 =	sadd.s32 @!p0 $0x88, s6;
	s7 =	simm.s32 @p2 $0x1082  }
0x22: {  	[simem:s7], [sflag:s8] =	dma.local @!p0 [hbm:s6], $0xF7A  }
0x23: {  	s9 =	sor.u32 $0xD0000000, s2;
	s6 =	simm.s32 $0x108;
	_ =	swait.ge @!p0 [sflag:s8], $0x0  }
0x24: {  	s3 =	sadd.s32 $0x88, s3;
	s6 =	simm.s32 @!p1 $0x1082;
	[sflag:s4] =	ssyncset.s32 $0xFFFFF086  }
0x25: {  	[simem:s6], [sflag:s4] =	dma.local [hbm:s3], $0xF7A  }
0x26: {  	[smem:$0x3F99] =	sst s1;
	(tag) =	ssettag s2;
	_ =	strace s9  }
0x27: {  	s1 =	sld [smem:$0x3FA9]  }
0x28: {  	s2 =	sld [smem:$0x3FAA]  }
0x29: {  	s4 =	sld [smem:$0x3FAC]  }
0x2a: {  	p0 =	seq.s32 s5, $0x0;
	s5 =	sld [smem:$0x3FAD]  }
0x2b: {  	s6 =	sld [smem:$0x3FAE]  }
0x2c: {  	s7 =	sld [smem:$0x3FAF]  }
0x2d: {  	s3 =	simm.s32 $0x108;
	s8 =	sld [smem:$0x3FB0]  }
0x2e: {  	s3 =	simm.s32 @!p0 $0x1082;
	s9 =	sld [smem:$0x3FB1]  }
0x2f: {  	lr =	sadd.s32 s0, s3;
	s0 =	sld [smem:$0x3FA8]  }
0x30: {  	s3 =	sld [smem:$0x3FAB]  }
0x31: {  	[smem:$0x3FB4] =	sst s10  }
0x32: {  	s10 =	sld [smem:$0x3FB2];
	_ =	sdelay $0x3  }
0x33: {  	p0 =	seq.s32 s10, $0x1;
	s10 =	sld [smem:$0x3FB4];
	_ =	sdelay $0x3  }
0x34: {  	[smem:$0x3FB4] =	sst s10  }
0x35: {  	s10 =	sld [smem:$0x3FB3];
	_ =	sdelay $0x3  }
0x36: {  	p1 =	seq.s32 s10, $0x1;
	s10 =	sld [smem:$0x3FB4];
	_ =	sdelay $0x3  }
0x37: {  	[smem:$0x3FB4] =	sst s10  }
0x38: {  	s10 =	sld [smem:$0x3FB5]  }
0x39: {  	_ = 	snop;
	(pc) =	sbr.ind lr, $3  }
0x3a: {  	_ = 	snop  }
0x3b: {  	_ = 	snop  }
0x3c: {  	p2 =	seq.s32 s10, $0x1;
	s10 =	sld [smem:$0x3FB4]  }
0x3d: {  	_ =	shalt  }
0x3e: {  	_ =	shalt  }
0x3f: {  	_ =	shalt  }
0x40: {  	_ =	shalt  }
0x41: {  	_ =	shalt  }
0x42: {  	_ =	shalt  }
0x43: {  	_ =	shalt  }
0x44: {  	_ =	shalt  }
0x45: {  	_ =	shalt  }
0x46: {  	_ =	shalt  }
0x47: {  	_ =	shalt  }
0x48: {  	_ =	shalt  }
0x49: {  	_ =	shalt  }
0x4a: {  	_ =	shalt  }
0x4b: {  	_ =	shalt  }
0x4c: {  	_ =	shalt  }
0x4d: {  	_ =	shalt  }
0x4e: {  	_ =	shalt  }
0x4f: {  	_ =	shalt  }
0x50: {  	_ =	shalt  }
0x51: {  	_ =	shalt  }
0x52: {  	_ =	shalt  }
0x53: {  	_ =	shalt  }
0x54: {  	_ =	shalt  }
0x55: {  	_ =	shalt  }
0x56: {  	_ =	shalt  }
0x57: {  	_ =	shalt  }
0x58: {  	_ =	shalt  }
0x59: {  	_ =	shalt  }
0x5a: {  	_ =	shalt  }
0x5b: {  	_ =	shalt  }
0x5c: {  	_ =	shalt  }
0x5d: {  	_ =	shalt  }
0x5e: {  	_ =	shalt  }
0x5f: {  	_ =	shalt  }
0x60: {  	_ =	shalt  }
0x61: {  	_ =	shalt  }
0x62: {  	_ =	shalt  }
0x63: {  	_ =	shalt  }
0x64: {  	_ =	shalt  }
0x65: {  	_ =	shalt  }
0x66: {  	_ =	shalt  }
0x67: {  	_ =	shalt  }
0x68: {  	_ =	shalt  }
0x69: {  	_ =	shalt  }
0x6a: {  	_ =	shalt  }
0x6b: {  	_ =	shalt  }
0x6c: {  	_ =	shalt  }
0x6d: {  	_ =	shalt  }
0x6e: {  	_ =	shalt  }
0x6f: {  	_ =	shalt  }
0x70: {  	_ =	shalt  }
0x71: {  	_ =	shalt  }
0x72: {  	_ =	shalt  }
0x73: {  	_ =	shalt  }
0x74: {  	_ =	shalt  }
0x75: {  	_ =	shalt  }
0x76: {  	_ =	shalt  }
0x77: {  	_ =	shalt  }
0x78: {  	_ =	shalt  }
0x79: {  	_ =	shalt  }
0x7a: {  	_ =	shalt  }
0x7b: {  	_ =	shalt  }
0x7c: {  	_ =	shalt  }
0x7d: {  	_ =	shalt  }
0x7e: {  	_ =	shalt  }
0x7f: {  	_ =	shalt  }
0x80: {  	_ =	shalt  }
0x81: {  	_ =	shalt  }
0x82: {  	_ =	shalt  }
0x83: {  	_ =	shalt  }
0x84: {  	_ =	shalt  }
0x85: {  	_ =	shalt  }
0x86: {  	_ =	shalt  }
0x87: {  	_ =	shalt  }
.Lfunc_end0:
.L_simem_size_0:
called_computation.1_lowered:
.L_overlay_start_0:
0x88: {  	s2 =	sld [smem:$0x3FD9]  }
0x89: {  	s3 =	sld [smem:$0x3FFE];
	_ =	sdelay $0x1  }
0x8a: {  	s1 =	srdreg.scid  }
0x8b: {  	s0 =	sand.u32 $0x1, s1  }
0x8c: {  	s17 =	sshll.u32 s0, $0xA;
	s2 =	sadd.s32 s3, s2  }
0x8d: {  	s2 =	sadd.s32 s2, s17  }
0x8e: {  	[smem:$0x3FC0] =	sst s2  }
0x8f: {  	_ = 	snop  }
0x90: {  	s2 =	sld [smem:$0x3FD0];
	(tm) =	ssettm $0x1  }
0x91: {  	s18 =	sld [smem:$0x3FFB];
	_ =	sdelay $0x3  }
0x92: {  	_ =	strace s18  }
0x93: {  	s3 =	sld [smem:$0x3FFC];
	_ =	sdelay $0x3  }
0x94: {  	_ =	strace s3  }
0x95: {  	s3 =	sld [smem:$0x3FFD];
	_ =	sdelay $0x3  }
0x96: {  	_ =	strace s3  }
0x97: {  	_ =	strace $0x8FFFFFFF  }
0x98: {  	s19 =	sld [smem:$0x3FDB];
	_ =	sdelay $0x1  }
0x99: {  	s4 =	simm.s32 $_scs_section_size  }
0x9a: {  	s5 =	simm.s32 $_size__tile_overlayer_lowered;
	s6 =	simm.s32 $_tile_overlayer_lowered  }
0x9b: {  	s22 =	simm.s32 $0x1BFF;
	s21 =	sshll.u32 s6, $0x1;
	s3 =	sadd.s32 s4, s19  }
0x9c: {  	s7 =	simm.s32 $0x0;
	s20 =	sshll.u32 s5, $0x1;
	s5 =	sadd.s32 s21, s3  }
0x9d: {  	[timem:s7], [sflag:s22] =	dma.local [hbm:s5], s20  }
0x9e: {  	_ =	swait.ge [sflag:s22], s20  }
0x9f: {  	s4 =	ssub.s32 $0x0, s20;
	[sflag:s22] =	ssyncset.done $0x0  }
0xa0: {  	[sflag:s22] =	ssyncadd.s32 s4;
	_ =	sdelay $0x1  }
0xa1: {  	s23 =	simm.s32 $0x1B8B  }
0xa2: {  	_ =	swait.ge [sflag:s23], $0x1  }
0xa3: {  	[sflag:s23] =	ssyncset.done $0x0  }
0xa4: {  	s25 =	simm.s32 $0x1B8E;
	s24 =	sld [smem:$0x3FFE];
	[sflag:s23] =	ssyncadd.s32 $0xFFFFFFFF  }
0xa5: {  	s26 =	simm.s32 $execute0_lowered;
	[smem:$0x3FD2] =	sst s25  }
0xa6: {  	s5 =	sshll.u32 s26, $0x1;
	_ =	strace $0x80000049;
	[dreg:$0x1] =	wrdreg $0xFFFFFFFF  }
0xa7: {  	s28 =	simm.s32 $_size_execute0_lowered;
	s3 =	sadd.s32 s3, s5;
	[dreg:$0x0] =	wrdreg $0x0  }
0xa8: {  	s5 =	sshll.u32 s28, $0x1;
	[dreg:$0x2] =	wrdreg s3  }
0xa9: {  	[dreg:$0x3] =	wrdreg s5  }
0xaa: {  	[dreg:$0x4] =	wrdreg $0xC0  }
0xab: {  	_ =	task [dreg:s7], $0x5FFFF  }
0xac: {  	[dreg:$0x1] =	wrdreg $0xFFFFFFFF  }
0xad: {  	[dreg:$0x0] =	wrdreg $0x60  }
0xae: {  	[dreg:$0x2] =	wrdreg s24  }
0xaf: {  	[dreg:$0x3] =	wrdreg s2  }
0xb0: {  	[dreg:$0x4] =	wrdreg $0x0  }
0xb1: {  	[dreg:$0x5] =	wrdreg $0x9  }
0xb2: {  	_ =	task.clear_ibuf [dreg:s7], $0x6FFFF;
	_ =	strace $0x90000049  }
0xb3: {  	s29 =	simm.s32 $0x9;
	_ =	strace $0x8000004B  }
0xb4: {  	_ =	swait.ge [sflag:s29], $0x1  }
0xb5: {  	[sflag:s29] =	ssyncadd.s32 $0xFFFFFFFF  }
0xb6: {  	_ =	strace $0x9000004B  }
0xb7: {  	_ =	sfence  }
0xb8: {  	s30 =	sld [smem:$0x0];
	_ =	sdelay $0x2  }
0xb9: {  	s31 =	sshll.u32 s1, $0xD;
	s1 =	sshrl.u32 s1, $0x2  }
0xba: {  	s3 =	sand.u32 $0x4000, s31;
	s1 =	sadd.s32 s1, s30  }
0xbb: {  	s0 =	sor.u32 s3, s0;
	s1 =	sshll.u32 s1, $0x11  }
0xbc: {  	s0 =	sor.u32 s1, s0  }
0xbd: {  	s0 =	sadd.s32 $0x8F2B, s0  }
0xbe: {  	[sflag:s0] =	ssyncadd.remote.s32 $0x1  }
0xbf: {  	_ =	sfence.sel $0xFFFF  }
0xc0: {  	[dreg:$0x0] =	wrdreg $0xFFFFFFFF;
	(pc) =	sbr.abs _section_cstart, $3  }
0xc1: {  	[dreg:$0x1] =	wrdreg $0xFFFFFFFF  }
0xc2: {  	_ =	task.clear_ibuf [dreg:s7], $0x2FFFF;
	_ =	strace $0x9FFFFFFF  }
0xc3: {  	(tm) =	ssettm $0x7FFFFFFF  }
tec
execute0_lowered:
.L_overlay_start_1:
0x0: {  	(tag) =	ssettag $0x1  }
0x1: {  	s6 =	rddreg [dreg:$0x0]  }
0x2: {  	s1 =	rddreg [dreg:$0x1]  }
0x3: {  	s3 =	rddreg [dreg:$0x2]  }
0x4: {  	s0 =	rddreg [dreg:$0x3];
	s4 =	simm.s32 $0x0  }
0x5: {  	s2 =	stileid.u32;
	s5 =	srdreg.scid;
	s16 =	simm.s32 $0x140  }
0x6: {  	s17 =	simm.s32 $0x13880;
	s18 =	simm.s32 $0x1;
	[smem:$0x7FF] =	sst s4  }
0x7: {  	s7 =	smul.u32 $0x13880, s2;
	s8 =	sand.u32 $0x1, s5;
	s5 =	sadd.s32 $0x2E00, s6  }
0x8: {  	s28 =	smul.u32 $0x1F, s2;
	p0 =	slt.u32 s2, $0x4;
	s29 =	smin.u32 s2, $0x4  }
0x9: {  	s30 =	sshll.u32 s2, $0x6;
	_ =	strace $0x8000004A;
	s9 =	smul.u32 $0x27100, s8  }
0xa: {  	s10 =	ssub.s32 $0x2, s8;
	s8 =	smul.u32 $0x1F4, s8;
	s19 =	sshrl.u32 s7, $0x3  }
0xb: {  	s12 =	sshrl.u32 s10, $0x1;
	s14 =	sadd.s32 s7, s3;
	s11 =	sadd.s32 s19, s6  }
0xc: {  	s13 =	sadd.s32 s9, s6;
	s10 =	ssub.s32 s10, s12;
	s6 =	simm.s32 $0x20  }
0xd: {  	s15 =	sadd.s32 s8, s29;
	s8 =	sor.u32 $0x1C02, s30;
	s9 =	sadd.s32 $0x9C40, s1  }
0xe: {  	s12 =	sshrl.u32 s14, $0x3;
	s14 =	simm.s32 $0x1D880;
	s6 =	simm.s32 @!p0 $0x1F  }
0xf: {  	s7 =	sadd.s32 $0x2A000, s11;
	s31 =	sadd.s32 s28, s15;
	s20 =	sadd.s32 $0x51200, s13  }
0x10: {  	s10 =	smax.u32 s10, $0x1;
	s13 =	simm.s32 $0x2;
	s15 =	simm.s32 $0x1D9C0  }
0x11: {  	s11 =	smul.u32 $0x28, s31;
	s19 =	sadd.s32 s19, s20;
	s20 =	simm.s32 $0x0  }
.LBB2_1:
0x12: {  	[spmem:s12], [sflag:s8] =	dma.local [hbm:s7], $0x2710  }
0x13: {  	p1 =	sne.s32 s6, $0x1  }
.Ltmp0:
0x14: {  	_ =	swait.ge [sflag:s13], $0x2710;
	(pc) =	sbr.rel @!p1 .LBB2_4-.Ltmp0, $4  }
0x15: {  	[sflag:s13] =	ssyncset.done $0x0  }
0x16: {  	[sflag:s13] =	ssyncadd.s32 $0xFFFFD8F0  }
0x17: {  	[bflag:$0x0] =	sbarrier.arrive $0xFFFF  }
0x18: {  	s22 =	sadd.s32 $0xFFFFFFFF, s6;
	p0 =	por $0x0, $0x0;
	s21 =	smov.u32 s11  }
0x19: {  	s21 =	sadd.s32 s11, s1  }
0x1a: {  	[tilespmem:s14], [sflag:$0x2] =	stream.linear.gather [hbm4b:s21+s4], $0x140, $0x38;
	[tilespmem:$0x1DB00] =	vst v63  }
0x1b: {  	_ =	swait.ge [sflag:s13], $0x140  }
0x1c: {  	[sflag:s13] =	ssyncset.done $0x0  }
0x1d: {  	s31 =	sadd.s32 s11, s9;
	[sflag:s13] =	ssyncadd.s32 $0xFFFFFEC0  }
0x1e: {  	[tilespmem:s15], [sflag:$0x2] =	stream.linear.gather [hbm4b:s31+s4], $0x140, $0x38;
	[tilespmem:$0x1DB00] =	vst v63  }
0x1f: {  	_ =	swait.ge [sflag:s13], $0x140  }
0x20: {  	[sflag:s13] =	ssyncset.done $0x0  }
0x21: {  	[sflag:s13] =	ssyncadd.s32 $0xFFFFFEC0  }
0x22: {  	[tilespmem:s17], [sflag:$0x1] =	stream.indirect.gather [hbm4b:s5+s16], $0x80, s14, s16, $0xb8;
	[tilespmem:$0x1DB00] =	vst v63  }
0x23: {  	p1 =	sne.s32 s22, $0x1;
	_ =	swait.ge [sflag:s18], $0xA000  }
.Ltmp1:
0x24: {  	[sflag:s18] =	ssyncset.done $0x0;
	(pc) =	sbr.rel @!p1 .LBB2_4-.Ltmp1, $4  }
0x25: {  	[sflag:s18] =	ssyncadd.s32 $0xFFFF6000  }
0x26: {  	[spmem:s3] =	stream.indirect.scatter.add.f32 [tilespmem:s17], [sflag:$0x2], $0x80, s15, s16, $0xb8;
	[tilespmem:$0x1DB00] =	vst v63  }
0x27: {  	s22 =	sadd.s32 $0xFFFFFFFF, s22;
	_ =	swait.ge [sflag:s13], $0xA000  }
0x28: {  	p0 =	por $0x1, $0x1;
	s21 =	sadd.s32 $0x28, s11;
	[sflag:s13] =	ssyncset.done $0x0  }
.LBB2_3:
0x29: {  	p1 =	sne.s32 s22, $0x1;
	s23 =	sadd.s32 s21, s1;
	[sflag:s13] =	ssyncadd.s32 $0xFFFF6000  }
0x2a: {  	[tilespmem:s14], [sflag:$0x2] =	stream.linear.gather [hbm4b:s23+s4], $0x140, $0x38;
	[tilespmem:$0x1DB00] =	vst v63  }
0x2b: {  	s22 =	sadd.s32 $0xFFFFFFFF, s22;
	_ =	swait.ge [sflag:s13], $0x140  }
0x2c: {  	[sflag:s13] =	ssyncset.done $0x0  }
0x2d: {  	s23 =	sadd.s32 s21, s9;
	[sflag:s13] =	ssyncadd.s32 $0xFFFFFEC0  }
0x2e: {  	[tilespmem:s15], [sflag:$0x2] =	stream.linear.gather [hbm4b:s23+s4], $0x140, $0x38;
	[tilespmem:$0x1DB00] =	vst v63  }
0x2f: {  	_ =	swait.ge [sflag:s13], $0x140  }
0x30: {  	[sflag:s13] =	ssyncset.done $0x0  }
0x31: {  	[sflag:s13] =	ssyncadd.s32 $0xFFFFFEC0  }
0x32: {  	[tilespmem:s17], [sflag:$0x1] =	stream.indirect.gather [hbm4b:s5+s16], $0x80, s14, s16, $0xb8;
	[tilespmem:$0x1DB00] =	vst v63  }
0x33: {  	_ =	swait.ge [sflag:s18], $0xA000  }
.Ltmp2:
0x34: {  	[sflag:s18] =	ssyncset.done $0x0;
	(pc) =	sbr.rel @p1 .LBB2_3-.Ltmp2, $4  }
0x35: {  	[sflag:s18] =	ssyncadd.s32 $0xFFFF6000  }
0x36: {  	[spmem:s3] =	stream.indirect.scatter.add.f32 [tilespmem:s17], [sflag:$0x2], $0x80, s15, s16, $0xb8;
	[tilespmem:$0x1DB00] =	vst v63  }
0x37: {  	_ =	swait.ge [sflag:s13], $0xA000  }
0x38: {  	s21 =	sadd.s32 $0x28, s21;
	[sflag:s13] =	ssyncset.done $0x0  }
.LBB2_4:
0x39: {  	s22 =	sadd.s32 s21, s1;
	[sflag:s13] =	ssyncadd.s32 @p0 $0xFFFF6000  }
0x3a: {  	[tilespmem:s14], [sflag:$0x2] =	stream.linear.gather [hbm4b:s22+s4], $0x140, $0x38;
	[tilespmem:$0x1DB00] =	vst v63  }
0x3b: {  	_ =	swait.ge [sflag:s13], $0x140  }
0x3c: {  	[sflag:s13] =	ssyncset.done $0x0  }
0x3d: {  	s31 =	sadd.s32 s21, s9;
	[sflag:s13] =	ssyncadd.s32 $0xFFFFFEC0  }
0x3e: {  	[tilespmem:s15], [sflag:$0x2] =	stream.linear.gather [hbm4b:s31+s4], $0x140, $0x38;
	[tilespmem:$0x1DB00] =	vst v63  }
0x3f: {  	_ =	swait.ge [sflag:s13], $0x140  }
0x40: {  	[sflag:s13] =	ssyncset.done $0x0  }
0x41: {  	[sflag:s13] =	ssyncadd.s32 $0xFFFFFEC0  }
0x42: {  	[tilespmem:s17], [sflag:$0x1] =	stream.indirect.gather [hbm4b:s5+s16], $0x80, s14, s16, $0xb8;
	[tilespmem:$0x1DB00] =	vst v63  }
0x43: {  	_ =	swait.ge [sflag:s18], $0xA000  }
0x44: {  	[sflag:s18] =	ssyncset.done $0x0  }
0x45: {  	[sflag:s18] =	ssyncadd.s32 $0xFFFF6000  }
0x46: {  	[spmem:s3] =	stream.indirect.scatter.add.f32 [tilespmem:s17], [sflag:$0x2], $0x80, s15, s16, $0xb8;
	[tilespmem:$0x1DB00] =	vst v63  }
0x47: {  	_ =	swait.ge [sflag:s13], $0xA000  }
0x48: {  	s20 =	sadd.s32 $0x1, s20;
	[sflag:s13] =	ssyncset.done $0x0  }
0x49: {  	p0 =	sne.s32 s20, s10;
	[sflag:s13] =	ssyncadd.s32 $0xFFFF6000  }
.Ltmp3:
0x4a: {  	[bflag:$0x0] =	sbarrier.arrive $0xFFFF;
	(pc) =	sbr.rel @p0 .LBB2_1-.Ltmp3, $4  }
0x4b: {  	[hbm:s19], [sflag:s8] =	dma.local [spmem:s12], $0x2710  }
0x4c: {  	_ =	swait.ge [sflag:s13], $0x2710  }
0x4d: {  	[sflag:s13] =	ssyncset.done $0x0  }
0x4e: {  	[sflag:s13] =	ssyncadd.s32 $0xFFFFD8F0  }
0x4f: {  	_ =	sfence.sel $0x180000  }
0x50: {  	[bflag:$0x0] =	sbarrier.arrive $0xFFFF  }
0x51: {  	p0 =	sne.s32 s2, $0x0;
	_ =	strace $0x9000004A  }
0x52: {  	s0 =	sadd.s32 @!p0 $0x100000, s0;
	[bflag:$0x2] =	sbarrier.arrive $0xFFFF  }
0x53: {  	[sflag:s0] =	ssyncadd.tile.s32 @!p0 $0x1;
	_ =	shalt  }
.Lfunc_end2:
_tile_overlayer_lowered:
.L_overlay_start_2:
0x54: {  	(tag) =	ssettag $0x2  }
0x55: {  	s0 =	rddreg [dreg:$0x0];
	s2 =	stileid.u32  }
0x56: {  	s1 =	rddreg [dreg:$0x1];
	p0 =	sne.s32 s2, $0x0  }
0x57: {  	s3 =	rddreg [dreg:$0x2];
	[bflag:$0x3] =	sbarrier.arrive $0xFFFF;
	s2 =	simm.s32 @!p0 $0x1C02  }
0x58: {  	[timem:s3], [sflag:s2] =	dma.local @!p0 [hbm:s0], s1  }
0x59: {  	s0 =	simm.s32 @!p0 $0x2  }
0x5a: {  	_ =	swait.ge @!p0 [sflag:s0], s1  }
0x5b: {  	s1 =	ssub.s32 @!p0 $0x0, s1;
	[sflag:s0] =	ssyncset.done @!p0 $0x0  }
0x5c: {  	[sflag:s0] =	ssyncadd.s32 @!p0 s1  }
0x5d: {  	[bflag:$0x3] =	sbarrier.arrive $0xFFFF  }
0x5e: {  	_ =	shalt  }

// kernel: kernel.16.cloned.1.call-start
scs
__scs_entry_jumppad:
0x0: {  	(pc) =	sbr.rel $0x88, $3  }
0x1: {  	(tag) =	ssettag $0x0;
	lr =	simm.s32 $0x1  }
0x2: {  	[smem:$0x3F99] =	sst lr;
	_ =	strace $0xD0000000  }
0x3: {  	_ = 	snop  }
0x4: {  	_ = 	snop  }
0x5: {  	_ = 	snop  }
0x6: {  	_ = 	snop  }
0x7: {  	_ = 	snop  }
__scs_overlays_trampoline_lowered:
0x8: {  	[smem:$0x3FA8] =	sst s0  }
0x9: {  	[smem:$0x3FA9] =	sst s1  }
0xa: {  	[smem:$0x3FAA] =	sst s2  }
0xb: {  	[smem:$0x3FAB] =	sst s3  }
0xc: {  	[smem:$0x3FAC] =	sst s4  }
0xd: {  	[smem:$0x3FAD] =	sst s5  }
0xe: {  	[smem:$0x3FAE] =	sst s6  }
0xf: {  	[smem:$0x3FAF] =	sst s7  }
0x10: {  	[smem:$0x3FB0] =	sst s8  }
0x11: {  	[smem:$0x3FB1] =	sst s9;
	s0 =	simm.s32 @!p0 $0x0  }
0x12: {  	s1 =	sld [smem:$0x3F97];
	s0 =	simm.s32 @p0 $0x1  }
0x13: {  	[smem:$0x3FB2] =	sst s0;
	s0 =	simm.s32 @!p1 $0x0  }
0x14: {  	s2 =	sld [smem:$0x3F96];
	s0 =	simm.s32 @p1 $0x1  }
0x15: {  	[smem:$0x3FB3] =	sst s0;
	s0 =	simm.s32 @!p2 $0x0  }
0x16: {  	s3 =	sld [smem:$0x3FDB];
	s0 =	simm.s32 @p2 $0x1  }
0x17: {  	s4 =	simm.s32 $0x1BF5;
	[smem:$0x3FB5] =	sst s0  }
0x18: {  	s0 =	sld [smem:$0x3F98];
	_ =	swait.ge [sflag:s4], $0x0  }
0x19: {  	s7 =	sld [smem:$0x3F99]  }
0x1a: {  	s8 =	sadd.s32 $0xFFFFE003, lr  }
0x1b: {  	s9 =	sadd.s32 $0xFFFFFEF7, lr;
	s5 =	simm.s32 $0xFFFFFFFF;
	p2 =	slt.u32 s8, $0xFFFFF086  }
0x1c: {  	p1 =	slt.u32 s9, $0xF7A;
	s5 =	simm.s32 @!p2 $0x0  }
0x1d: {  	s5 =	simm.s32 @p1 $0x1;
	p0 =	seq.s32 s7, s2  }
0x1e: {  	s7 =	smul.u32 @!p0 $0xF7A, s2;
	p2 =	seq.s32 @!p0 s5, $0x0  }
0x1f: {  	s9 =	smul.u32 $0xF7A, s1;
	s8 =	simm.s32 @!p0 $0x1BF5;
	p2 =	por !p2, p0  }
0x20: {  	[sflag:s8] =	ssyncset.s32 @!p0 $0xFFFFF086;
	s6 =	sadd.s32 @!p0 s3, s7;
	s7 =	simm.s32 @!p0 $0x108  }
0x21: {  	s3 =	sadd.s32 s3, s9;
	s6 =	sadd.s32 @!p0 $0x88, s6;
	s7 =	simm.s32 @p2 $0x1082  }
0x22: {  	[simem:s7], [sflag:s8] =	dma.local @!p0 [hbm:s6], $0xF7A  }
0x23: {  	s9 =	sor.u32 $0xD0000000, s2;
	s6 =	simm.s32 $0x108;
	_ =	swait.ge @!p0 [sflag:s8], $0x0  }
0x24: {  	s3 =	sadd.s32 $0x88, s3;
	s6 =	simm.s32 @!p1 $0x1082;
	[sflag:s4] =	ssyncset.s32 $0xFFFFF086  }
0x25: {  	[simem:s6], [sflag:s4] =	dma.local [hbm:s3], $0xF7A  }
0x26: {  	[smem:$0x3F99] =	sst s1;
	(tag) =	ssettag s2;
	_ =	strace s9  }
0x27: {  	s1 =	sld [smem:$0x3FA9]  }
0x28: {  	s2 =	sld [smem:$0x3FAA]  }
0x29: {  	s4 =	sld [smem:$0x3FAC]  }
0x2a: {  	p0 =	seq.s32 s5, $0x0;
	s5 =	sld [smem:$0x3FAD]  }
0x2b: {  	s6 =	sld [smem:$0x3FAE]  }
0x2c: {  	s7 =	sld [smem:$0x3FAF]  }
0x2d: {  	s3 =	simm.s32 $0x108;
	s8 =	sld [smem:$0x3FB0]  }
0x2e: {  	s3 =	simm.s32 @!p0 $0x1082;
	s9 =	sld [smem:$0x3FB1]  }
0x2f: {  	lr =	sadd.s32 s0, s3;
	s0 =	sld [smem:$0x3FA8]  }
0x30: {  	s3 =	sld [smem:$0x3FAB]  }
0x31: {  	[smem:$0x3FB4] =	sst s10  }
0x32: {  	s10 =	sld [smem:$0x3FB2];
	_ =	sdelay $0x3  }
0x33: {  	p0 =	seq.s32 s10, $0x1;
	s10 =	sld [smem:$0x3FB4];
	_ =	sdelay $0x3  }
0x34: {  	[smem:$0x3FB4] =	sst s10  }
0x35: {  	s10 =	sld [smem:$0x3FB3];
	_ =	sdelay $0x3  }
0x36: {  	p1 =	seq.s32 s10, $0x1;
	s10 =	sld [smem:$0x3FB4];
	_ =	sdelay $0x3  }
0x37: {  	[smem:$0x3FB4] =	sst s10  }
0x38: {  	s10 =	sld [smem:$0x3FB5]  }
0x39: {  	_ = 	snop;
	(pc) =	sbr.ind lr, $3  }
0x3a: {  	_ = 	snop  }
0x3b: {  	_ = 	snop  }
0x3c: {  	p2 =	seq.s32 s10, $0x1;
	s10 =	sld [smem:$0x3FB4]  }
0x3d: {  	_ =	shalt  }
0x3e: {  	_ =	shalt  }
0x3f: {  	_ =	shalt  }
0x40: {  	_ =	shalt  }
0x41: {  	_ =	shalt  }
0x42: {  	_ =	shalt  }
0x43: {  	_ =	shalt  }
0x44: {  	_ =	shalt  }
0x45: {  	_ =	shalt  }
0x46: {  	_ =	shalt  }
0x47: {  	_ =	shalt  }
0x48: {  	_ =	shalt  }
0x49: {  	_ =	shalt  }
0x4a: {  	_ =	shalt  }
0x4b: {  	_ =	shalt  }
0x4c: {  	_ =	shalt  }
0x4d: {  	_ =	shalt  }
0x4e: {  	_ =	shalt  }
0x4f: {  	_ =	shalt  }
0x50: {  	_ =	shalt  }
0x51: {  	_ =	shalt  }
0x52: {  	_ =	shalt  }
0x53: {  	_ =	shalt  }
0x54: {  	_ =	shalt  }
0x55: {  	_ =	shalt  }
0x56: {  	_ =	shalt  }
0x57: {  	_ =	shalt  }
0x58: {  	_ =	shalt  }
0x59: {  	_ =	shalt  }
0x5a: {  	_ =	shalt  }
0x5b: {  	_ =	shalt  }
0x5c: {  	_ =	shalt  }
0x5d: {  	_ =	shalt  }
0x5e: {  	_ =	shalt  }
0x5f: {  	_ =	shalt  }
0x60: {  	_ =	shalt  }
0x61: {  	_ =	shalt  }
0x62: {  	_ =	shalt  }
0x63: {  	_ =	shalt  }
0x64: {  	_ =	shalt  }
0x65: {  	_ =	shalt  }
0x66: {  	_ =	shalt  }
0x67: {  	_ =	shalt  }
0x68: {  	_ =	shalt  }
0x69: {  	_ =	shalt  }
0x6a: {  	_ =	shalt  }
0x6b: {  	_ =	shalt  }
0x6c: {  	_ =	shalt  }
0x6d: {  	_ =	shalt  }
0x6e: {  	_ =	shalt  }
0x6f: {  	_ =	shalt  }
0x70: {  	_ =	shalt  }
0x71: {  	_ =	shalt  }
0x72: {  	_ =	shalt  }
0x73: {  	_ =	shalt  }
0x74: {  	_ =	shalt  }
0x75: {  	_ =	shalt  }
0x76: {  	_ =	shalt  }
0x77: {  	_ =	shalt  }
0x78: {  	_ =	shalt  }
0x79: {  	_ =	shalt  }
0x7a: {  	_ =	shalt  }
0x7b: {  	_ =	shalt  }
0x7c: {  	_ =	shalt  }
0x7d: {  	_ =	shalt  }
0x7e: {  	_ =	shalt  }
0x7f: {  	_ =	shalt  }
0x80: {  	_ =	shalt  }
0x81: {  	_ =	shalt  }
0x82: {  	_ =	shalt  }
0x83: {  	_ =	shalt  }
0x84: {  	_ =	shalt  }
0x85: {  	_ =	shalt  }
0x86: {  	_ =	shalt  }
0x87: {  	_ =	shalt  }
.Lfunc_end0:
.L_simem_size_0:
called_computation.2_lowered:
.L_overlay_start_0:
0x88: {  	s2 =	sld [smem:$0x3FD9]  }
0x89: {  	s3 =	sld [smem:$0x3FFE];
	_ =	sdelay $0x1  }
0x8a: {  	s1 =	srdreg.scid  }
0x8b: {  	s0 =	sand.u32 $0x1, s1  }
0x8c: {  	s17 =	sshll.u32 s0, $0xA;
	s2 =	sadd.s32 s3, s2  }
0x8d: {  	s2 =	sadd.s32 s2, s17  }
0x8e: {  	[smem:$0x3FC0] =	sst s2  }
0x8f: {  	_ = 	snop  }
0x90: {  	s2 =	sld [smem:$0x3FD0];
	(tm) =	ssettm $0x1  }
0x91: {  	s18 =	sld [smem:$0x3FFB];
	_ =	sdelay $0x3  }
0x92: {  	_ =	strace s18  }
0x93: {  	s3 =	sld [smem:$0x3FFC];
	_ =	sdelay $0x3  }
0x94: {  	_ =	strace s3  }
0x95: {  	s3 =	sld [smem:$0x3FFD];
	_ =	sdelay $0x3  }
0x96: {  	_ =	strace s3  }
0x97: {  	_ =	strace $0x8FFFFFFF  }
0x98: {  	s19 =	sld [smem:$0x3FDB];
	_ =	sdelay $0x1  }
0x99: {  	s4 =	simm.s32 $_scs_section_size  }
0x9a: {  	s5 =	simm.s32 $_size__tile_overlayer_lowered;
	s6 =	simm.s32 $_tile_overlayer_lowered  }
0x9b: {  	s22 =	simm.s32 $0x1BFF;
	s21 =	sshll.u32 s6, $0x1;
	s3 =	sadd.s32 s4, s19  }
0x9c: {  	s7 =	simm.s32 $0x0;
	s20 =	sshll.u32 s5, $0x1;
	s5 =	sadd.s32 s21, s3  }
0x9d: {  	[timem:s7], [sflag:s22] =	dma.local [hbm:s5], s20  }
0x9e: {  	_ =	swait.ge [sflag:s22], s20  }
0x9f: {  	s4 =	ssub.s32 $0x0, s20;
	[sflag:s22] =	ssyncset.done $0x0  }
0xa0: {  	[sflag:s22] =	ssyncadd.s32 s4;
	_ =	sdelay $0x1  }
0xa1: {  	s23 =	simm.s32 $0x1B8B  }
0xa2: {  	_ =	swait.ge [sflag:s23], $0x1  }
0xa3: {  	[sflag:s23] =	ssyncset.done $0x0  }
0xa4: {  	s25 =	simm.s32 $0x1B8E;
	s24 =	sld [smem:$0x3FFE];
	[sflag:s23] =	ssyncadd.s32 $0xFFFFFFFF  }
0xa5: {  	s26 =	simm.s32 $execute0_lowered;
	[smem:$0x3FD2] =	sst s25  }
0xa6: {  	s5 =	sshll.u32 s26, $0x1;
	_ =	strace $0x8000004C;
	[dreg:$0x1] =	wrdreg $0xFFFFFFFF  }
0xa7: {  	s28 =	simm.s32 $_size_execute0_lowered;
	s3 =	sadd.s32 s3, s5;
	[dreg:$0x0] =	wrdreg $0x0  }
0xa8: {  	s5 =	sshll.u32 s28, $0x1;
	[dreg:$0x2] =	wrdreg s3  }
0xa9: {  	[dreg:$0x3] =	wrdreg s5  }
0xaa: {  	[dreg:$0x4] =	wrdreg $0xC0  }
0xab: {  	_ =	task [dreg:s7], $0x5FFFF  }
0xac: {  	[dreg:$0x1] =	wrdreg $0xFFFFFFFF  }
0xad: {  	[dreg:$0x0] =	wrdreg $0x60  }
0xae: {  	[dreg:$0x2] =	wrdreg s24  }
0xaf: {  	[dreg:$0x3] =	wrdreg s2  }
0xb0: {  	[dreg:$0x4] =	wrdreg $0x0  }
0xb1: {  	[dreg:$0x5] =	wrdreg $0x9  }
0xb2: {  	_ =	task.clear_ibuf [dreg:s7], $0x6FFFF;
	_ =	strace $0x9000004C  }
0xb3: {  	s29 =	simm.s32 $0x9;
	_ =	strace $0x8000004E  }
0xb4: {  	_ =	swait.ge [sflag:s29], $0x1  }
0xb5: {  	[sflag:s29] =	ssyncadd.s32 $0xFFFFFFFF  }
0xb6: {  	_ =	strace $0x9000004E  }
0xb7: {  	_ =	sfence  }
0xb8: {  	s30 =	sld [smem:$0x0];
	_ =	sdelay $0x2  }
0xb9: {  	s31 =	sshll.u32 s1, $0xD;
	s1 =	sshrl.u32 s1, $0x2  }
0xba: {  	s3 =	sand.u32 $0x4000, s31;
	s1 =	sadd.s32 s1, s30  }
0xbb: {  	s0 =	sor.u32 s3, s0;
	s1 =	sshll.u32 s1, $0x11  }
0xbc: {  	s0 =	sor.u32 s1, s0  }
0xbd: {  	s0 =	sadd.s32 $0x8F2B, s0  }
0xbe: {  	[sflag:s0] =	ssyncadd.remote.s32 $0x1  }
0xbf: {  	_ =	sfence.sel $0xFFFF  }
0xc0: {  	[dreg:$0x0] =	wrdreg $0xFFFFFFFF;
	(pc) =	sbr.abs _section_cstart, $3  }
0xc1: {  	[dreg:$0x1] =	wrdreg $0xFFFFFFFF  }
0xc2: {  	_ =	task.clear_ibuf [dreg:s7], $0x2FFFF;
	_ =	strace $0x9FFFFFFF  }
0xc3: {  	(tm) =	ssettm $0x7FFFFFFF  }
tec
execute0_lowered:
.L_overlay_start_1:
0x0: {  	(tag) =	ssettag $0x1  }
0x1: {  	s6 =	rddreg [dreg:$0x0]  }
0x2: {  	s1 =	rddreg [dreg:$0x1]  }
0x3: {  	s3 =	rddreg [dreg:$0x2]  }
0x4: {  	s0 =	rddreg [dreg:$0x3];
	s4 =	simm.s32 $0x0  }
0x5: {  	s2 =	stileid.u32;
	s5 =	srdreg.scid;
	s16 =	simm.s32 $0x140  }
0x6: {  	s17 =	simm.s32 $0x13880;
	s18 =	simm.s32 $0x1;
	[smem:$0x7FF] =	sst s4  }
0x7: {  	s7 =	smul.u32 $0x13880, s2;
	s8 =	sand.u32 $0x1, s5;
	s5 =	sadd.s32 $0x2E00, s6  }
0x8: {  	s28 =	smul.u32 $0x1F, s2;
	p0 =	slt.u32 s2, $0x4;
	s29 =	smin.u32 s2, $0x4  }
0x9: {  	s30 =	sshll.u32 s2, $0x6;
	_ =	strace $0x8000004D;
	s9 =	smul.u32 $0x27100, s8  }
0xa: {  	s10 =	ssub.s32 $0x2, s8;
	s8 =	smul.u32 $0x1F4, s8;
	s19 =	sshrl.u32 s7, $0x3  }
0xb: {  	s12 =	sshrl.u32 s10, $0x1;
	s14 =	sadd.s32 s7, s3;
	s11 =	sadd.s32 s19, s6  }
0xc: {  	s13 =	sadd.s32 s9, s6;
	s10 =	ssub.s32 s10, s12;
	s6 =	simm.s32 $0x20  }
0xd: {  	s15 =	sadd.s32 s8, s29;
	s8 =	sor.u32 $0x1C02, s30;
	s9 =	sadd.s32 $0x9C40, s1  }
0xe: {  	s12 =	sshrl.u32 s14, $0x3;
	s14 =	simm.s32 $0x1D880;
	s6 =	simm.s32 @!p0 $0x1F  }
0xf: {  	s7 =	sadd.s32 $0x2A000, s11;
	s31 =	sadd.s32 s28, s15;
	s20 =	sadd.s32 $0x51200, s13  }
0x10: {  	s10 =	smax.u32 s10, $0x1;
	s13 =	simm.s32 $0x2;
	s15 =	simm.s32 $0x1D9C0  }
0x11: {  	s11 =	smul.u32 $0x28, s31;
	s19 =	sadd.s32 s19, s20;
	s20 =	simm.s32 $0x0  }
.LBB2_1:
0x12: {  	[spmem:s12], [sflag:s8] =	dma.local [hbm:s7], $0x2710  }
0x13: {  	p1 =	sne.s32 s6, $0x1  }
.Ltmp0:
0x14: {  	_ =	swait.ge [sflag:s13], $0x2710;
	(pc) =	sbr.rel @!p1 .LBB2_4-.Ltmp0, $4  }
0x15: {  	[sflag:s13] =	ssyncset.done $0x0  }
0x16: {  	[sflag:s13] =	ssyncadd.s32 $0xFFFFD8F0  }
0x17: {  	[bflag:$0x0] =	sbarrier.arrive $0xFFFF  }
0x18: {  	s22 =	sadd.s32 $0xFFFFFFFF, s6;
	p0 =	por $0x0, $0x0;
	s21 =	smov.u32 s11  }
0x19: {  	s21 =	sadd.s32 s11, s1  }
0x1a: {  	[tilespmem:s14], [sflag:$0x2] =	stream.linear.gather [hbm4b:s21+s4], $0x140, $0x38;
	[tilespmem:$0x1DB00] =	vst v63  }
0x1b: {  	_ =	swait.ge [sflag:s13], $0x140  }
0x1c: {  	[sflag:s13] =	ssyncset.done $0x0  }
0x1d: {  	s31 =	sadd.s32 s11, s9;
	[sflag:s13] =	ssyncadd.s32 $0xFFFFFEC0  }
0x1e: {  	[tilespmem:s15], [sflag:$0x2] =	stream.linear.gather [hbm4b:s31+s4], $0x140, $0x38;
	[tilespmem:$0x1DB00] =	vst v63  }
0x1f: {  	_ =	swait.ge [sflag:s13], $0x140  }
0x20: {  	[sflag:s13] =	ssyncset.done $0x0  }
0x21: {  	[sflag:s13] =	ssyncadd.s32 $0xFFFFFEC0  }
0x22: {  	[tilespmem:s17], [sflag:$0x1] =	stream.indirect.gather [hbm4b:s5+s16], $0x80, s14, s16, $0xb8;
	[tilespmem:$0x1DB00] =	vst v63  }
0x23: {  	p1 =	sne.s32 s22, $0x1;
	_ =	swait.ge [sflag:s18], $0xA000  }
.Ltmp1:
0x24: {  	[sflag:s18] =	ssyncset.done $0x0;
	(pc) =	sbr.rel @!p1 .LBB2_4-.Ltmp1, $4  }
0x25: {  	[sflag:s18] =	ssyncadd.s32 $0xFFFF6000  }
0x26: {  	[spmem:s3] =	stream.indirect.scatter.add.f32 [tilespmem:s17], [sflag:$0x2], $0x80, s15, s16, $0xb8;
	[tilespmem:$0x1DB00] =	vst v63  }
0x27: {  	s22 =	sadd.s32 $0xFFFFFFFF, s22;
	_ =	swait.ge [sflag:s13], $0xA000  }
0x28: {  	p0 =	por $0x1, $0x1;
	s21 =	sadd.s32 $0x28, s11;
	[sflag:s13] =	ssyncset.done $0x0  }
.LBB2_3:
0x29: {  	p1 =	sne.s32 s22, $0x1;
	s23 =	sadd.s32 s21, s1;
	[sflag:s13] =	ssyncadd.s32 $0xFFFF6000  }
0x2a: {  	[tilespmem:s14], [sflag:$0x2] =	stream.linear.gather [hbm4b:s23+s4], $0x140, $0x38;
	[tilespmem:$0x1DB00] =	vst v63  }
0x2b: {  	s22 =	sadd.s32 $0xFFFFFFFF, s22;
	_ =	swait.ge [sflag:s13], $0x140  }
0x2c: {  	[sflag:s13] =	ssyncset.done $0x0  }
0x2d: {  	s23 =	sadd.s32 s21, s9;
	[sflag:s13] =	ssyncadd.s32 $0xFFFFFEC0  }
0x2e: {  	[tilespmem:s15], [sflag:$0x2] =	stream.linear.gather [hbm4b:s23+s4], $0x140, $0x38;
	[tilespmem:$0x1DB00] =	vst v63  }
0x2f: {  	_ =	swait.ge [sflag:s13], $0x140  }
0x30: {  	[sflag:s13] =	ssyncset.done $0x0  }
0x31: {  	[sflag:s13] =	ssyncadd.s32 $0xFFFFFEC0  }
0x32: {  	[tilespmem:s17], [sflag:$0x1] =	stream.indirect.gather [hbm4b:s5+s16], $0x80, s14, s16, $0xb8;
	[tilespmem:$0x1DB00] =	vst v63  }
0x33: {  	_ =	swait.ge [sflag:s18], $0xA000  }
.Ltmp2:
0x34: {  	[sflag:s18] =	ssyncset.done $0x0;
	(pc) =	sbr.rel @p1 .LBB2_3-.Ltmp2, $4  }
0x35: {  	[sflag:s18] =	ssyncadd.s32 $0xFFFF6000  }
0x36: {  	[spmem:s3] =	stream.indirect.scatter.add.f32 [tilespmem:s17], [sflag:$0x2], $0x80, s15, s16, $0xb8;
	[tilespmem:$0x1DB00] =	vst v63  }
0x37: {  	_ =	swait.ge [sflag:s13], $0xA000  }
0x38: {  	s21 =	sadd.s32 $0x28, s21;
	[sflag:s13] =	ssyncset.done $0x0  }
.LBB2_4:
0x39: {  	s22 =	sadd.s32 s21, s1;
	[sflag:s13] =	ssyncadd.s32 @p0 $0xFFFF6000  }
0x3a: {  	[tilespmem:s14], [sflag:$0x2] =	stream.linear.gather [hbm4b:s22+s4], $0x140, $0x38;
	[tilespmem:$0x1DB00] =	vst v63  }
0x3b: {  	_ =	swait.ge [sflag:s13], $0x140  }
0x3c: {  	[sflag:s13] =	ssyncset.done $0x0  }
0x3d: {  	s31 =	sadd.s32 s21, s9;
	[sflag:s13] =	ssyncadd.s32 $0xFFFFFEC0  }
0x3e: {  	[tilespmem:s15], [sflag:$0x2] =	stream.linear.gather [hbm4b:s31+s4], $0x140, $0x38;
	[tilespmem:$0x1DB00] =	vst v63  }
0x3f: {  	_ =	swait.ge [sflag:s13], $0x140  }
0x40: {  	[sflag:s13] =	ssyncset.done $0x0  }
0x41: {  	[sflag:s13] =	ssyncadd.s32 $0xFFFFFEC0  }
0x42: {  	[tilespmem:s17], [sflag:$0x1] =	stream.indirect.gather [hbm4b:s5+s16], $0x80, s14, s16, $0xb8;
	[tilespmem:$0x1DB00] =	vst v63  }
0x43: {  	_ =	swait.ge [sflag:s18], $0xA000  }
0x44: {  	[sflag:s18] =	ssyncset.done $0x0  }
0x45: {  	[sflag:s18] =	ssyncadd.s32 $0xFFFF6000  }
0x46: {  	[spmem:s3] =	stream.indirect.scatter.add.f32 [tilespmem:s17], [sflag:$0x2], $0x80, s15, s16, $0xb8;
	[tilespmem:$0x1DB00] =	vst v63  }
0x47: {  	_ =	swait.ge [sflag:s13], $0xA000  }
0x48: {  	s20 =	sadd.s32 $0x1, s20;
	[sflag:s13] =	ssyncset.done $0x0  }
0x49: {  	p0 =	sne.s32 s20, s10;
	[sflag:s13] =	ssyncadd.s32 $0xFFFF6000  }
.Ltmp3:
0x4a: {  	[bflag:$0x0] =	sbarrier.arrive $0xFFFF;
	(pc) =	sbr.rel @p0 .LBB2_1-.Ltmp3, $4  }
0x4b: {  	[hbm:s19], [sflag:s8] =	dma.local [spmem:s12], $0x2710  }
0x4c: {  	_ =	swait.ge [sflag:s13], $0x2710  }
0x4d: {  	[sflag:s13] =	ssyncset.done $0x0  }
0x4e: {  	[sflag:s13] =	ssyncadd.s32 $0xFFFFD8F0  }
0x4f: {  	_ =	sfence.sel $0x180000  }
0x50: {  	[bflag:$0x0] =	sbarrier.arrive $0xFFFF  }
0x51: {  	p0 =	sne.s32 s2, $0x0;
	_ =	strace $0x9000004D  }
0x52: {  	s0 =	sadd.s32 @!p0 $0x100000, s0;
	[bflag:$0x2] =	sbarrier.arrive $0xFFFF  }
0x53: {  	[sflag:s0] =	ssyncadd.tile.s32 @!p0 $0x1;
	_ =	shalt  }
.Lfunc_end2:
_tile_overlayer_lowered:
.L_overlay_start_2:
0x54: {  	(tag) =	ssettag $0x2  }
0x55: {  	s0 =	rddreg [dreg:$0x0];
	s2 =	stileid.u32  }
0x56: {  	s1 =	rddreg [dreg:$0x1];
	p0 =	sne.s32 s2, $0x0  }
0x57: {  	s3 =	rddreg [dreg:$0x2];
	[bflag:$0x3] =	sbarrier.arrive $0xFFFF;
	s2 =	simm.s32 @!p0 $0x1C02  }
0x58: {  	[timem:s3], [sflag:s2] =	dma.local @!p0 [hbm:s0], s1  }
0x59: {  	s0 =	simm.s32 @!p0 $0x2  }
0x5a: {  	_ =	swait.ge @!p0 [sflag:s0], s1  }
0x5b: {  	s1 =	ssub.s32 @!p0 $0x0, s1;
	[sflag:s0] =	ssyncset.done @!p0 $0x0  }
0x5c: {  	[sflag:s0] =	ssyncadd.s32 @!p0 s1  }
0x5d: {  	[bflag:$0x3] =	sbarrier.arrive $0xFFFF  }
0x5e: {  	_ =	shalt  }

// kernel: kernel.19.cloned.1.call-start
scs
__scs_entry_jumppad:
0x0: {  	(pc) =	sbr.rel $0x88, $3  }
0x1: {  	(tag) =	ssettag $0x0;
	lr =	simm.s32 $0x1  }
0x2: {  	[smem:$0x3F99] =	sst lr;
	_ =	strace $0xD0000000  }
0x3: {  	_ = 	snop  }
0x4: {  	_ = 	snop  }
0x5: {  	_ = 	snop  }
0x6: {  	_ = 	snop  }
0x7: {  	_ = 	snop  }
__scs_overlays_trampoline_lowered:
0x8: {  	[smem:$0x3FA8] =	sst s0  }
0x9: {  	[smem:$0x3FA9] =	sst s1  }
0xa: {  	[smem:$0x3FAA] =	sst s2  }
0xb: {  	[smem:$0x3FAB] =	sst s3  }
0xc: {  	[smem:$0x3FAC] =	sst s4  }
0xd: {  	[smem:$0x3FAD] =	sst s5  }
0xe: {  	[smem:$0x3FAE] =	sst s6  }
0xf: {  	[smem:$0x3FAF] =	sst s7  }
0x10: {  	[smem:$0x3FB0] =	sst s8  }
0x11: {  	[smem:$0x3FB1] =	sst s9;
	s0 =	simm.s32 @!p0 $0x0  }
0x12: {  	s1 =	sld [smem:$0x3F97];
	s0 =	simm.s32 @p0 $0x1  }
0x13: {  	[smem:$0x3FB2] =	sst s0;
	s0 =	simm.s32 @!p1 $0x0  }
0x14: {  	s2 =	sld [smem:$0x3F96];
	s0 =	simm.s32 @p1 $0x1  }
0x15: {  	[smem:$0x3FB3] =	sst s0;
	s0 =	simm.s32 @!p2 $0x0  }
0x16: {  	s3 =	sld [smem:$0x3FDB];
	s0 =	simm.s32 @p2 $0x1  }
0x17: {  	s4 =	simm.s32 $0x1BF5;
	[smem:$0x3FB5] =	sst s0  }
0x18: {  	s0 =	sld [smem:$0x3F98];
	_ =	swait.ge [sflag:s4], $0x0  }
0x19: {  	s7 =	sld [smem:$0x3F99]  }
0x1a: {  	s8 =	sadd.s32 $0xFFFFE003, lr  }
0x1b: {  	s9 =	sadd.s32 $0xFFFFFEF7, lr;
	s5 =	simm.s32 $0xFFFFFFFF;
	p2 =	slt.u32 s8, $0xFFFFF086  }
0x1c: {  	p1 =	slt.u32 s9, $0xF7A;
	s5 =	simm.s32 @!p2 $0x0  }
0x1d: {  	s5 =	simm.s32 @p1 $0x1;
	p0 =	seq.s32 s7, s2  }
0x1e: {  	s7 =	smul.u32 @!p0 $0xF7A, s2;
	p2 =	seq.s32 @!p0 s5, $0x0  }
0x1f: {  	s9 =	smul.u32 $0xF7A, s1;
	s8 =	simm.s32 @!p0 $0x1BF5;
	p2 =	por !p2, p0  }
0x20: {  	[sflag:s8] =	ssyncset.s32 @!p0 $0xFFFFF086;
	s6 =	sadd.s32 @!p0 s3, s7;
	s7 =	simm.s32 @!p0 $0x108  }
0x21: {  	s3 =	sadd.s32 s3, s9;
	s6 =	sadd.s32 @!p0 $0x88, s6;
	s7 =	simm.s32 @p2 $0x1082  }
0x22: {  	[simem:s7], [sflag:s8] =	dma.local @!p0 [hbm:s6], $0xF7A  }
0x23: {  	s9 =	sor.u32 $0xD0000000, s2;
	s6 =	simm.s32 $0x108;
	_ =	swait.ge @!p0 [sflag:s8], $0x0  }
0x24: {  	s3 =	sadd.s32 $0x88, s3;
	s6 =	simm.s32 @!p1 $0x1082;
	[sflag:s4] =	ssyncset.s32 $0xFFFFF086  }
0x25: {  	[simem:s6], [sflag:s4] =	dma.local [hbm:s3], $0xF7A  }
0x26: {  	[smem:$0x3F99] =	sst s1;
	(tag) =	ssettag s2;
	_ =	strace s9  }
0x27: {  	s1 =	sld [smem:$0x3FA9]  }
0x28: {  	s2 =	sld [smem:$0x3FAA]  }
0x29: {  	s4 =	sld [smem:$0x3FAC]  }
0x2a: {  	p0 =	seq.s32 s5, $0x0;
	s5 =	sld [smem:$0x3FAD]  }
0x2b: {  	s6 =	sld [smem:$0x3FAE]  }
0x2c: {  	s7 =	sld [smem:$0x3FAF]  }
0x2d: {  	s3 =	simm.s32 $0x108;
	s8 =	sld [smem:$0x3FB0]  }
0x2e: {  	s3 =	simm.s32 @!p0 $0x1082;
	s9 =	sld [smem:$0x3FB1]  }
0x2f: {  	lr =	sadd.s32 s0, s3;
	s0 =	sld [smem:$0x3FA8]  }
0x30: {  	s3 =	sld [smem:$0x3FAB]  }
0x31: {  	[smem:$0x3FB4] =	sst s10  }
0x32: {  	s10 =	sld [smem:$0x3FB2];
	_ =	sdelay $0x3  }
0x33: {  	p0 =	seq.s32 s10, $0x1;
	s10 =	sld [smem:$0x3FB4];
	_ =	sdelay $0x3  }
0x34: {  	[smem:$0x3FB4] =	sst s10  }
0x35: {  	s10 =	sld [smem:$0x3FB3];
	_ =	sdelay $0x3  }
0x36: {  	p1 =	seq.s32 s10, $0x1;
	s10 =	sld [smem:$0x3FB4];
	_ =	sdelay $0x3  }
0x37: {  	[smem:$0x3FB4] =	sst s10  }
0x38: {  	s10 =	sld [smem:$0x3FB5]  }
0x39: {  	_ = 	snop;
	(pc) =	sbr.ind lr, $3  }
0x3a: {  	_ = 	snop  }
0x3b: {  	_ = 	snop  }
0x3c: {  	p2 =	seq.s32 s10, $0x1;
	s10 =	sld [smem:$0x3FB4]  }
0x3d: {  	_ =	shalt  }
0x3e: {  	_ =	shalt  }
0x3f: {  	_ =	shalt  }
0x40: {  	_ =	shalt  }
0x41: {  	_ =	shalt  }
0x42: {  	_ =	shalt  }
0x43: {  	_ =	shalt  }
0x44: {  	_ =	shalt  }
0x45: {  	_ =	shalt  }
0x46: {  	_ =	shalt  }
0x47: {  	_ =	shalt  }
0x48: {  	_ =	shalt  }
0x49: {  	_ =	shalt  }
0x4a: {  	_ =	shalt  }
0x4b: {  	_ =	shalt  }
0x4c: {  	_ =	shalt  }
0x4d: {  	_ =	shalt  }
0x4e: {  	_ =	shalt  }
0x4f: {  	_ =	shalt  }
0x50: {  	_ =	shalt  }
0x51: {  	_ =	shalt  }
0x52: {  	_ =	shalt  }
0x53: {  	_ =	shalt  }
0x54: {  	_ =	shalt  }
0x55: {  	_ =	shalt  }
0x56: {  	_ =	shalt  }
0x57: {  	_ =	shalt  }
0x58: {  	_ =	shalt  }
0x59: {  	_ =	shalt  }
0x5a: {  	_ =	shalt  }
0x5b: {  	_ =	shalt  }
0x5c: {  	_ =	shalt  }
0x5d: {  	_ =	shalt  }
0x5e: {  	_ =	shalt  }
0x5f: {  	_ =	shalt  }
0x60: {  	_ =	shalt  }
0x61: {  	_ =	shalt  }
0x62: {  	_ =	shalt  }
0x63: {  	_ =	shalt  }
0x64: {  	_ =	shalt  }
0x65: {  	_ =	shalt  }
0x66: {  	_ =	shalt  }
0x67: {  	_ =	shalt  }
0x68: {  	_ =	shalt  }
0x69: {  	_ =	shalt  }
0x6a: {  	_ =	shalt  }
0x6b: {  	_ =	shalt  }
0x6c: {  	_ =	shalt  }
0x6d: {  	_ =	shalt  }
0x6e: {  	_ =	shalt  }
0x6f: {  	_ =	shalt  }
0x70: {  	_ =	shalt  }
0x71: {  	_ =	shalt  }
0x72: {  	_ =	shalt  }
0x73: {  	_ =	shalt  }
0x74: {  	_ =	shalt  }
0x75: {  	_ =	shalt  }
0x76: {  	_ =	shalt  }
0x77: {  	_ =	shalt  }
0x78: {  	_ =	shalt  }
0x79: {  	_ =	shalt  }
0x7a: {  	_ =	shalt  }
0x7b: {  	_ =	shalt  }
0x7c: {  	_ =	shalt  }
0x7d: {  	_ =	shalt  }
0x7e: {  	_ =	shalt  }
0x7f: {  	_ =	shalt  }
0x80: {  	_ =	shalt  }
0x81: {  	_ =	shalt  }
0x82: {  	_ =	shalt  }
0x83: {  	_ =	shalt  }
0x84: {  	_ =	shalt  }
0x85: {  	_ =	shalt  }
0x86: {  	_ =	shalt  }
0x87: {  	_ =	shalt  }
.Lfunc_end0:
.L_simem_size_0:
called_computation.3_lowered:
.L_overlay_start_0:
0x88: {  	s2 =	sld [smem:$0x3FD9]  }
0x89: {  	s3 =	sld [smem:$0x3FFE];
	_ =	sdelay $0x1  }
0x8a: {  	s1 =	srdreg.scid  }
0x8b: {  	s0 =	sand.u32 $0x1, s1  }
0x8c: {  	s17 =	sshll.u32 s0, $0xA;
	s2 =	sadd.s32 s3, s2  }
0x8d: {  	s2 =	sadd.s32 s2, s17  }
0x8e: {  	[smem:$0x3FC0] =	sst s2  }
0x8f: {  	_ = 	snop  }
0x90: {  	s2 =	sld [smem:$0x3FD0];
	(tm) =	ssettm $0x1  }
0x91: {  	s18 =	sld [smem:$0x3FFB];
	_ =	sdelay $0x3  }
0x92: {  	_ =	strace s18  }
0x93: {  	s3 =	sld [smem:$0x3FFC];
	_ =	sdelay $0x3  }
0x94: {  	_ =	strace s3  }
0x95: {  	s3 =	sld [smem:$0x3FFD];
	_ =	sdelay $0x3  }
0x96: {  	_ =	strace s3  }
0x97: {  	_ =	strace $0x8FFFFFFF  }
0x98: {  	s19 =	sld [smem:$0x3FDB];
	_ =	sdelay $0x1  }
0x99: {  	s4 =	simm.s32 $_scs_section_size  }
0x9a: {  	s5 =	simm.s32 $_size__tile_overlayer_lowered;
	s6 =	simm.s32 $_tile_overlayer_lowered  }
0x9b: {  	s22 =	simm.s32 $0x1BFF;
	s21 =	sshll.u32 s6, $0x1;
	s3 =	sadd.s32 s4, s19  }
0x9c: {  	s7 =	simm.s32 $0x0;
	s20 =	sshll.u32 s5, $0x1;
	s5 =	sadd.s32 s21, s3  }
0x9d: {  	[timem:s7], [sflag:s22] =	dma.local [hbm:s5], s20  }
0x9e: {  	_ =	swait.ge [sflag:s22], s20  }
0x9f: {  	s4 =	ssub.s32 $0x0, s20;
	[sflag:s22] =	ssyncset.done $0x0  }
0xa0: {  	[sflag:s22] =	ssyncadd.s32 s4;
	_ =	sdelay $0x1  }
0xa1: {  	s23 =	simm.s32 $0x1B8B  }
0xa2: {  	_ =	swait.ge [sflag:s23], $0x1  }
0xa3: {  	[sflag:s23] =	ssyncset.done $0x0  }
0xa4: {  	s25 =	simm.s32 $0x1B8E;
	s24 =	sld [smem:$0x3FFE];
	[sflag:s23] =	ssyncadd.s32 $0xFFFFFFFF  }
0xa5: {  	s26 =	simm.s32 $execute0_lowered;
	[smem:$0x3FD2] =	sst s25  }
0xa6: {  	s5 =	sshll.u32 s26, $0x1;
	_ =	strace $0x8000004F;
	[dreg:$0x1] =	wrdreg $0xFFFFFFFF  }
0xa7: {  	s28 =	simm.s32 $_size_execute0_lowered;
	s3 =	sadd.s32 s3, s5;
	[dreg:$0x0] =	wrdreg $0x0  }
0xa8: {  	s5 =	sshll.u32 s28, $0x1;
	[dreg:$0x2] =	wrdreg s3  }
0xa9: {  	[dreg:$0x3] =	wrdreg s5  }
0xaa: {  	[dreg:$0x4] =	wrdreg $0xC0  }
0xab: {  	_ =	task [dreg:s7], $0x5FFFF  }
0xac: {  	[dreg:$0x1] =	wrdreg $0xFFFFFFFF  }
0xad: {  	[dreg:$0x0] =	wrdreg $0x60  }
0xae: {  	[dreg:$0x2] =	wrdreg s24  }
0xaf: {  	[dreg:$0x3] =	wrdreg s2  }
0xb0: {  	[dreg:$0x4] =	wrdreg $0x0  }
0xb1: {  	[dreg:$0x5] =	wrdreg $0x9  }
0xb2: {  	_ =	task.clear_ibuf [dreg:s7], $0x6FFFF;
	_ =	strace $0x9000004F  }
0xb3: {  	s29 =	simm.s32 $0x9;
	_ =	strace $0x80000051  }
0xb4: {  	_ =	swait.ge [sflag:s29], $0x1  }
0xb5: {  	[sflag:s29] =	ssyncadd.s32 $0xFFFFFFFF  }
0xb6: {  	_ =	strace $0x90000051  }
0xb7: {  	_ =	sfence  }
0xb8: {  	s30 =	sld [smem:$0x0];
	_ =	sdelay $0x2  }
0xb9: {  	s31 =	sshll.u32 s1, $0xD;
	s1 =	sshrl.u32 s1, $0x2  }
0xba: {  	s3 =	sand.u32 $0x4000, s31;
	s1 =	sadd.s32 s1, s30  }
0xbb: {  	s0 =	sor.u32 s3, s0;
	s1 =	sshll.u32 s1, $0x11  }
0xbc: {  	s0 =	sor.u32 s1, s0  }
0xbd: {  	s0 =	sadd.s32 $0x8F2B, s0  }
0xbe: {  	[sflag:s0] =	ssyncadd.remote.s32 $0x1  }
0xbf: {  	_ =	sfence.sel $0xFFFF  }
0xc0: {  	[dreg:$0x0] =	wrdreg $0xFFFFFFFF;
	(pc) =	sbr.abs _section_cstart, $3  }
0xc1: {  	[dreg:$0x1] =	wrdreg $0xFFFFFFFF  }
0xc2: {  	_ =	task.clear_ibuf [dreg:s7], $0x2FFFF;
	_ =	strace $0x9FFFFFFF  }
0xc3: {  	(tm) =	ssettm $0x7FFFFFFF  }
tec
execute0_lowered:
.L_overlay_start_1:
0x0: {  	(tag) =	ssettag $0x1  }
0x1: {  	s6 =	rddreg [dreg:$0x0]  }
0x2: {  	s1 =	rddreg [dreg:$0x1]  }
0x3: {  	s3 =	rddreg [dreg:$0x2]  }
0x4: {  	s0 =	rddreg [dreg:$0x3];
	s4 =	simm.s32 $0x0  }
0x5: {  	s2 =	stileid.u32;
	s5 =	srdreg.scid;
	s16 =	simm.s32 $0x140  }
0x6: {  	s17 =	simm.s32 $0x9C40;
	s18 =	simm.s32 $0x1;
	[smem:$0x7FF] =	sst s4  }
0x7: {  	s7 =	smul.u32 $0x9C40, s2;
	s8 =	sand.u32 $0x1, s5;
	s5 =	sadd.s32 $0x2E00, s6  }
0x8: {  	s28 =	smul.u32 $0x1F, s2;
	p0 =	slt.u32 s2, $0x4;
	s29 =	smin.u32 s2, $0x4  }
0x9: {  	s30 =	sshll.u32 s2, $0x6;
	_ =	strace $0x80000050;
	s9 =	smul.u32 $0x13880, s8  }
0xa: {  	s10 =	ssub.s32 $0x2, s8;
	s8 =	smul.u32 $0x1F4, s8;
	s19 =	sshrl.u32 s7, $0x3  }
0xb: {  	s12 =	sshrl.u32 s10, $0x1;
	s14 =	sadd.s32 s7, s3;
	s11 =	sadd.s32 s19, s6  }
0xc: {  	s13 =	sadd.s32 s9, s6;
	s10 =	ssub.s32 s10, s12;
	s6 =	simm.s32 $0x20  }
0xd: {  	s15 =	sadd.s32 s8, s29;
	s8 =	sor.u32 $0x1C02, s30;
	s9 =	sadd.s32 $0x9C40, s1  }
0xe: {  	s12 =	sshrl.u32 s14, $0x3;
	s14 =	simm.s32 $0xEC40;
	s6 =	simm.s32 @!p0 $0x1F  }
0xf: {  	s7 =	sadd.s32 $0x16800, s11;
	s31 =	sadd.s32 s28, s15;
	s20 =	sadd.s32 $0x2A200, s13  }
0x10: {  	s10 =	smax.u32 s10, $0x1;
	s13 =	simm.s32 $0x2;
	s15 =	simm.s32 $0xED80  }
0x11: {  	s11 =	smul.u32 $0x28, s31;
	s19 =	sadd.s32 s19, s20;
	s20 =	simm.s32 $0x0  }
.LBB2_1:
0x12: {  	[spmem:s12], [sflag:s8] =	dma.local [hbm:s7], $0x1388  }
0x13: {  	p1 =	sne.s32 s6, $0x1  }
.Ltmp0:
0x14: {  	_ =	swait.ge [sflag:s13], $0x1388;
	(pc) =	sbr.rel @!p1 .LBB2_4-.Ltmp0, $4  }
0x15: {  	[sflag:s13] =	ssyncset.done $0x0  }
0x16: {  	[sflag:s13] =	ssyncadd.s32 $0xFFFFEC78  }
0x17: {  	[bflag:$0x0] =	sbarrier.arrive $0xFFFF  }
0x18: {  	s22 =	sadd.s32 $0xFFFFFFFF, s6;
	p0 =	por $0x0, $0x0;
	s21 =	smov.u32 s11  }
0x19: {  	s21 =	sadd.s32 s11, s1  }
0x1a: {  	[tilespmem:s14], [sflag:$0x2] =	stream.linear.gather [hbm4b:s21+s4], $0x140, $0x38;
	[tilespmem:$0xEEC0] =	vst v63  }
0x1b: {  	_ =	swait.ge [sflag:s13], $0x140  }
0x1c: {  	[sflag:s13] =	ssyncset.done $0x0  }
0x1d: {  	s31 =	sadd.s32 s11, s9;
	[sflag:s13] =	ssyncadd.s32 $0xFFFFFEC0  }
0x1e: {  	[tilespmem:s15], [sflag:$0x2] =	stream.linear.gather [hbm4b:s31+s4], $0x140, $0x38;
	[tilespmem:$0xEEC0] =	vst v63  }
0x1f: {  	_ =	swait.ge [sflag:s13], $0x140  }
0x20: {  	[sflag:s13] =	ssyncset.done $0x0  }
0x21: {  	[sflag:s13] =	ssyncadd.s32 $0xFFFFFEC0  }
0x22: {  	[tilespmem:s17], [sflag:$0x1] =	stream.indirect.gather [hbm4b:s5+s16], $0x40, s14, s16, $0xb8;
	[tilespmem:$0xEEC0] =	vst v63  }
0x23: {  	p1 =	sne.s32 s22, $0x1;
	_ =	swait.ge [sflag:s18], $0x5000  }
.Ltmp1:
0x24: {  	[sflag:s18] =	ssyncset.done $0x0;
	(pc) =	sbr.rel @!p1 .LBB2_4-.Ltmp1, $4  }
0x25: {  	[sflag:s18] =	ssyncadd.s32 $0xFFFFB000  }
0x26: {  	[spmem:s3] =	stream.indirect.scatter.add.f32 [tilespmem:s17], [sflag:$0x2], $0x40, s15, s16, $0xb8;
	[tilespmem:$0xEEC0] =	vst v63  }
0x27: {  	s22 =	sadd.s32 $0xFFFFFFFF, s22;
	_ =	swait.ge [sflag:s13], $0x5000  }
0x28: {  	p0 =	por $0x1, $0x1;
	s21 =	sadd.s32 $0x28, s11;
	[sflag:s13] =	ssyncset.done $0x0  }
.LBB2_3:
0x29: {  	p1 =	sne.s32 s22, $0x1;
	s23 =	sadd.s32 s21, s1;
	[sflag:s13] =	ssyncadd.s32 $0xFFFFB000  }
0x2a: {  	[tilespmem:s14], [sflag:$0x2] =	stream.linear.gather [hbm4b:s23+s4], $0x140, $0x38;
	[tilespmem:$0xEEC0] =	vst v63  }
0x2b: {  	s22 =	sadd.s32 $0xFFFFFFFF, s22;
	_ =	swait.ge [sflag:s13], $0x140  }
0x2c: {  	[sflag:s13] =	ssyncset.done $0x0  }
0x2d: {  	s23 =	sadd.s32 s21, s9;
	[sflag:s13] =	ssyncadd.s32 $0xFFFFFEC0  }
0x2e: {  	[tilespmem:s15], [sflag:$0x2] =	stream.linear.gather [hbm4b:s23+s4], $0x140, $0x38;
	[tilespmem:$0xEEC0] =	vst v63  }
0x2f: {  	_ =	swait.ge [sflag:s13], $0x140  }
0x30: {  	[sflag:s13] =	ssyncset.done $0x0  }
0x31: {  	[sflag:s13] =	ssyncadd.s32 $0xFFFFFEC0  }
0x32: {  	[tilespmem:s17], [sflag:$0x1] =	stream.indirect.gather [hbm4b:s5+s16], $0x40, s14, s16, $0xb8;
	[tilespmem:$0xEEC0] =	vst v63  }
0x33: {  	_ =	swait.ge [sflag:s18], $0x5000  }
.Ltmp2:
0x34: {  	[sflag:s18] =	ssyncset.done $0x0;
	(pc) =	sbr.rel @p1 .LBB2_3-.Ltmp2, $4  }
0x35: {  	[sflag:s18] =	ssyncadd.s32 $0xFFFFB000  }
0x36: {  	[spmem:s3] =	stream.indirect.scatter.add.f32 [tilespmem:s17], [sflag:$0x2], $0x40, s15, s16, $0xb8;
	[tilespmem:$0xEEC0] =	vst v63  }
0x37: {  	_ =	swait.ge [sflag:s13], $0x5000  }
0x38: {  	s21 =	sadd.s32 $0x28, s21;
	[sflag:s13] =	ssyncset.done $0x0  }
.LBB2_4:
0x39: {  	s22 =	sadd.s32 s21, s1;
	[sflag:s13] =	ssyncadd.s32 @p0 $0xFFFFB000  }
0x3a: {  	[tilespmem:s14], [sflag:$0x2] =	stream.linear.gather [hbm4b:s22+s4], $0x140, $0x38;
	[tilespmem:$0xEEC0] =	vst v63  }
0x3b: {  	_ =	swait.ge [sflag:s13], $0x140  }
0x3c: {  	[sflag:s13] =	ssyncset.done $0x0  }
0x3d: {  	s31 =	sadd.s32 s21, s9;
	[sflag:s13] =	ssyncadd.s32 $0xFFFFFEC0  }
0x3e: {  	[tilespmem:s15], [sflag:$0x2] =	stream.linear.gather [hbm4b:s31+s4], $0x140, $0x38;
	[tilespmem:$0xEEC0] =	vst v63  }
0x3f: {  	_ =	swait.ge [sflag:s13], $0x140  }
0x40: {  	[sflag:s13] =	ssyncset.done $0x0  }
0x41: {  	[sflag:s13] =	ssyncadd.s32 $0xFFFFFEC0  }
0x42: {  	[tilespmem:s17], [sflag:$0x1] =	stream.indirect.gather [hbm4b:s5+s16], $0x40, s14, s16, $0xb8;
	[tilespmem:$0xEEC0] =	vst v63  }
0x43: {  	_ =	swait.ge [sflag:s18], $0x5000  }
0x44: {  	[sflag:s18] =	ssyncset.done $0x0  }
0x45: {  	[sflag:s18] =	ssyncadd.s32 $0xFFFFB000  }
0x46: {  	[spmem:s3] =	stream.indirect.scatter.add.f32 [tilespmem:s17], [sflag:$0x2], $0x40, s15, s16, $0xb8;
	[tilespmem:$0xEEC0] =	vst v63  }
0x47: {  	_ =	swait.ge [sflag:s13], $0x5000  }
0x48: {  	s20 =	sadd.s32 $0x1, s20;
	[sflag:s13] =	ssyncset.done $0x0  }
0x49: {  	p0 =	sne.s32 s20, s10;
	[sflag:s13] =	ssyncadd.s32 $0xFFFFB000  }
.Ltmp3:
0x4a: {  	[bflag:$0x0] =	sbarrier.arrive $0xFFFF;
	(pc) =	sbr.rel @p0 .LBB2_1-.Ltmp3, $4  }
0x4b: {  	[hbm:s19], [sflag:s8] =	dma.local [spmem:s12], $0x1388  }
0x4c: {  	_ =	swait.ge [sflag:s13], $0x1388  }
0x4d: {  	[sflag:s13] =	ssyncset.done $0x0  }
0x4e: {  	[sflag:s13] =	ssyncadd.s32 $0xFFFFEC78  }
0x4f: {  	_ =	sfence.sel $0x180000  }
0x50: {  	[bflag:$0x0] =	sbarrier.arrive $0xFFFF  }
0x51: {  	p0 =	sne.s32 s2, $0x0;
	_ =	strace $0x90000050  }
0x52: {  	s0 =	sadd.s32 @!p0 $0x100000, s0;
	[bflag:$0x2] =	sbarrier.arrive $0xFFFF  }
0x53: {  	[sflag:s0] =	ssyncadd.tile.s32 @!p0 $0x1;
	_ =	shalt  }
.Lfunc_end2:
_tile_overlayer_lowered:
.L_overlay_start_2:
0x54: {  	(tag) =	ssettag $0x2  }
0x55: {  	s0 =	rddreg [dreg:$0x0];
	s2 =	stileid.u32  }
0x56: {  	s1 =	rddreg [dreg:$0x1];
	p0 =	sne.s32 s2, $0x0  }
0x57: {  	s3 =	rddreg [dreg:$0x2];
	[bflag:$0x3] =	sbarrier.arrive $0xFFFF;
	s2 =	simm.s32 @!p0 $0x1C02  }
0x58: {  	[timem:s3], [sflag:s2] =	dma.local @!p0 [hbm:s0], s1  }
0x59: {  	s0 =	simm.s32 @!p0 $0x2  }
0x5a: {  	_ =	swait.ge @!p0 [sflag:s0], s1  }
0x5b: {  	s1 =	ssub.s32 @!p0 $0x0, s1;
	[sflag:s0] =	ssyncset.done @!p0 $0x0  }
0x5c: {  	[sflag:s0] =	ssyncadd.s32 @!p0 s1  }
0x5d: {  	[bflag:$0x3] =	sbarrier.arrive $0xFFFF  }
0x5e: {  	_ =	shalt  }

</sc_bundles>
